<compile_context>
chip_gen: v7x
topology: tpu7x:2x2x1
jax: 0.10.2.dev20260603
libtpu: 0.0.44.dev20260713+nightly
codegen_flags: <defaults>
</compile_context>

<pallas_src>
import functools

import jax
import jax.numpy as jnp
from jax import lax
from jax.experimental import pallas as pl
from jax.experimental.pallas import tpu as pltpu
from jax.experimental.pallas import tpu_sc as plsc

_NUM_EXAMP = 100000
_N_CLASSES = 1000
_BATCH = 16384
_LAMBDA = 3.0
_BETA = 0.7

_TILE_B = 512
_GRID = _BATCH // _TILE_B


def _loss_body(out_ref, lab_ref, outw_ref, loss_ref, acc_ref):
    i = pl.program_id(0)

    x = out_ref[...]
    lab = lab_ref[...]
    xw = outw_ref[...]

    e = jnp.exp(-x)
    ce_tile = jnp.sum(jnp.log1p(e) + (1.0 - lab) * x)

    yp = jnp.clip(1.0 / (1.0 + e), 0.0001, 1.0 - 0.0001)
    ypw = jnp.clip(1.0 / (1.0 + jnp.exp(-xw)), 0.0001, 1.0 - 0.0001)
    s_w = jnp.sum(ypw, axis=1)
    d = jnp.sum(ypw * yp, axis=1)
    inner = _N_CLASSES - (1.0 - _BETA) * d / s_w
    elr_tile = jnp.sum(jnp.log(inner))

    @pl.when(i == 0)
    def _init():
        acc_ref[0] = 0.0
        acc_ref[1] = 0.0

    acc_ref[0] += ce_tile
    acc_ref[1] += elr_tile

    @pl.when(i == _GRID - 1)
    def _fin():
        ce = acc_ref[0] / (_BATCH * _N_CLASSES)
        elr = acc_ref[1] / _BATCH
        loss_ref[0, 0] = ce + _LAMBDA * elr


def _loss_call(output, label, out_w):
    return pl.pallas_call(
        _loss_body,
        grid=(_GRID,),
        in_specs=[
            pl.BlockSpec((_TILE_B, _N_CLASSES), lambda i: (i, 0)),
            pl.BlockSpec((_TILE_B, _N_CLASSES), lambda i: (i, 0)),
            pl.BlockSpec((_TILE_B, _N_CLASSES), lambda i: (i, 0)),
        ],
        out_specs=pl.BlockSpec((1, 1), lambda i: (0, 0), memory_space=pltpu.SMEM),
        out_shape=jax.ShapeDtypeStruct((1, 1), jnp.float32),
        scratch_shapes=[pltpu.SMEM((2,), jnp.float32)],
    )(output, label, out_w)


_NC = 2
_NS = 16
_NW = _NC * _NS
_BPW = _BATCH // _NW
_CHUNK = 64
_NCHUNK = _BPW // _CHUNK

_sc_mesh = plsc.VectorSubcoreMesh(core_axis_name="c", subcore_axis_name="s")


@functools.partial(
    pl.kernel,
    mesh=_sc_mesh,
    out_type=jax.ShapeDtypeStruct((_NUM_EXAMP,), jnp.int32),
    scratch_types=[
        pltpu.VMEM((_BPW,), jnp.int32),
        pltpu.VMEM((_BPW,), jnp.int32),
        pltpu.SemaphoreType.DMA,
    ],
    compiler_params=pltpu.CompilerParams(skip_device_barrier=True),
)
def _sc_scatter_pos(index_hbm, pos_hbm, buf_hbm, idx_v, pos_v, sem):
    wid = lax.axis_index("s") * _NC + lax.axis_index("c")
    base = wid * _BPW
    pltpu.sync_copy(index_hbm.at[pl.ds(base, _BPW)], idx_v)
    pltpu.sync_copy(pos_hbm.at[pl.ds(base, _BPW)], pos_v)
    pltpu.async_copy(pos_v, buf_hbm.at[idx_v], sem).wait()


@functools.partial(
    pl.kernel,
    mesh=_sc_mesh,
    out_type=jax.ShapeDtypeStruct((_BATCH, _N_CLASSES), jnp.float32),
    scratch_types=[
        pltpu.VMEM((_NCHUNK, _CHUNK), jnp.int32),
        pltpu.VMEM((_NCHUNK, _CHUNK), jnp.int32),
        pltpu.VMEM((_CHUNK, _N_CLASSES), jnp.float32),
        pltpu.VMEM((_CHUNK, _N_CLASSES), jnp.float32),
        pltpu.SemaphoreType.DMA,
        pltpu.SemaphoreType.DMA,
        pltpu.SemaphoreType.DMA,
        pltpu.SemaphoreType.DMA,
        pltpu.SemaphoreType.DMA,
    ],
    compiler_params=pltpu.CompilerParams(use_tc_tiling_on_sc=False,
                                         skip_device_barrier=True),
)
def _sc_gather_rows(index3_hbm, buf_hbm, out_hbm, outw_hbm, idx_v, w_v, rows_a, rows_b,
                    sem_w, sem_g0, sem_g1, sem_s0, sem_s1):
    wid = lax.axis_index("s") * _NC + lax.axis_index("c")
    base = wid * _BPW
    pltpu.sync_copy(index3_hbm.at[wid], idx_v)
    w_copies = [pltpu.async_copy(buf_hbm.at[idx_v.at[c]], w_v.at[c], sem_w)
                for c in range(_NCHUNK)]
    for h in w_copies:
        h.wait()
    bufs = [rows_a, rows_b]
    gsems = [sem_g0, sem_g1]
    ssems = [sem_s0, sem_s1]
    gh = [None, None]
    sh = [None, None]
    gh[0] = pltpu.async_copy(out_hbm.at[w_v.at[0]], bufs[0], gsems[0])
    for c in range(_NCHUNK):
        cb = c % 2
        nb = (c + 1) % 2
        if c + 1 < _NCHUNK:
            if sh[nb] is not None:
                sh[nb].wait()
                sh[nb] = None
            gh[nb] = pltpu.async_copy(out_hbm.at[w_v.at[c + 1]], bufs[nb], gsems[nb])
        gh[cb].wait()
        sh[cb] = pltpu.async_copy(bufs[cb], outw_hbm.at[pl.ds(base + c * _CHUNK, _CHUNK)],
                                  ssems[cb])
    if sh[0] is not None:
        sh[0].wait()
    if sh[1] is not None:
        sh[1].wait()


def kernel(index, output, label, target):
    del target
    index = index.astype(jnp.int32)
    pos = jnp.arange(_BATCH, dtype=jnp.int32)
    buf = _sc_scatter_pos(index, pos)
    out_w = _sc_gather_rows(index.reshape(_NW, _NCHUNK, _CHUNK), buf, output)
    loss = _loss_call(output, label, out_w)
    return loss[0, 0]

# --- scband reference (transcript-rebuilt; emitter-appended) ---
"""Pipeline reference for scband-elrmulti-label-loss-50276887167215 (READ-ONLY COPY).

The authoritative reference and input builder live on the scoring server;
editing this copy changes nothing except your own understanding.
"""

import jax, jax.numpy as jnp
import numpy as np

NUM_EXAMP = 100000
N_CLASSES = 1000
BATCH = 16384
LAMBDA_ = 3.0
BETA = 0.7


def setup_inputs(seed: int = 0) -> dict:
    key = jax.random.key(seed)
    k1, k2, k3 = jax.random.split(key, 3)
    index = jax.random.randint(k1, (BATCH,), 0, NUM_EXAMP)
    output = jax.random.normal(k2, (BATCH, N_CLASSES), dtype=jnp.float32)
    label = jax.random.uniform(k3, (BATCH, N_CLASSES), dtype=jnp.float32)
    # persistent ELR target buffer (module state, sized per init_kwargs)
    target = jnp.zeros((NUM_EXAMP, N_CLASSES), dtype=jnp.float32)
    return {"index": index, "output": output, "label": label, "target": target}


def reference(index, output, label, target):
    # y_pred used in the regularizer (clamped sigmoid)
    y_pred = jax.nn.sigmoid(output)
    y_pred = jnp.clip(y_pred, 0.0001, 1.0 - 0.0001)
    y_pred_ = jax.lax.stop_gradient(y_pred)
    # temporal-ensembling update of the target buffer at the sampled rows
    t_gather = jnp.take(target, index, axis=0)
    t_new = BETA * t_gather + (1.0 - BETA) * (y_pred_ / jnp.sum(y_pred_, axis=1, keepdims=True))
    target = target.at[index].set(t_new)
    t_idx = jnp.take(target, index, axis=0)
    # binary cross entropy on unclamped sigmoid (as in torch F.binary_cross_entropy)
    p = jax.nn.sigmoid(output)
    ce_loss = -jnp.mean(label * jnp.log(p) + (1.0 - label) * jnp.log(1.0 - p))
    # ELR regularizer
    elr_reg = jnp.mean(jnp.log(jnp.sum(1.0 - t_idx * y_pred, axis=1)))
    final_loss = ce_loss + LAMBDA_ * elr_reg
    return final_loss

if __name__ == "__main__":
    import jax
    _d = setup_inputs()
    print(jax.jit(kernel)(*tuple(_d.values())))

</pallas_src>

<mosaic_0001>
#map = affine_map<(d0, d1) -> (0)>
module attributes {stable_mosaic.version = 14 : i64} {
  func.func @_sc_scatter_pos(%arg0: i32, %arg1: i32, %arg2: memref<16384xi32, #tpu.memory_space<hbm>>, %arg3: memref<16384xi32, #tpu.memory_space<hbm>>, %arg4: memref<100000xi32, #tpu.memory_space<hbm>>, %arg5: memref<512xi32, #tpu.memory_space<vmem>>, %arg6: memref<512xi32, #tpu.memory_space<vmem>>, %arg7: memref<!tpu.dma_semaphore, #tpu.memory_space<semaphore_mem>>) attributes {dimension_semantics = [#tpu.dimension_semantics<core_parallel>, #tpu.dimension_semantics<subcore_parallel>], iteration_bounds = array<i64: 2, 16>, scalar_prefetch = 0 : i64, scratch_operands = 3 : i64, tpu.core_type = #tpu.core_type<sc_vector_subcore>, window_params = [{transform_indices = #map}, {transform_indices = #map}, {transform_indices = #map}]} {
    %mul3A = arith.constant 2 : i32
    %mul3A_0 = arith.muli %arg1, %mul3A : i32
    %add3A = arith.addi %mul3A_0, %arg0 : i32
    %mul3A_1 = arith.constant 512 : i32
    %mul3A_2 = arith.muli %add3A, %mul3A_1 : i32
    "tpu.region"() ({
      %run_scoped3A = tpu.sem_alloc : memref<!tpu.dma_semaphore, #tpu.memory_space<semaphore_mem>>
      %dma_start3A_5 = tpu.memref_slice %arg2[%mul3A_2] : memref<16384xi32, #tpu.memory_space<hbm>> -> memref<512xi32, #tpu.memory_space<hbm>>
      %dma_start3A_6 = tpu.memref_slice %arg2[%mul3A_2] : memref<16384xi32, #tpu.memory_space<hbm>> -> memref<512xi32, #tpu.memory_space<hbm>>
      tpu.enqueue_dma source(%dma_start3A_6 : memref<512xi32, #tpu.memory_space<hbm>>) target(%arg5 : memref<512xi32, #tpu.memory_space<vmem>>) target_semaphore(%run_scoped3A : memref<!tpu.dma_semaphore, #tpu.memory_space<semaphore_mem>>)
      %dma_wait3A_7 = tpu.memref_slice %arg2[%mul3A_2] : memref<16384xi32, #tpu.memory_space<hbm>> -> memref<512xi32, #tpu.memory_space<hbm>>
      %dma_wait3A_8 = tpu.memref_slice %arg2[%mul3A_2] : memref<16384xi32, #tpu.memory_space<hbm>> -> memref<512xi32, #tpu.memory_space<hbm>>
      tpu.wait_dma2 semaphore(%run_scoped3A : memref<!tpu.dma_semaphore, #tpu.memory_space<semaphore_mem>>) src(%dma_wait3A_8 : memref<512xi32, #tpu.memory_space<hbm>>) dst(%arg5 : memref<512xi32, #tpu.memory_space<vmem>>)
      tpu.yield
    }) : () -> ()
    "tpu.region"() ({
      %run_scoped3A = tpu.sem_alloc : memref<!tpu.dma_semaphore, #tpu.memory_space<semaphore_mem>>
      %dma_start3A_5 = tpu.memref_slice %arg3[%mul3A_2] : memref<16384xi32, #tpu.memory_space<hbm>> -> memref<512xi32, #tpu.memory_space<hbm>>
      %dma_start3A_6 = tpu.memref_slice %arg3[%mul3A_2] : memref<16384xi32, #tpu.memory_space<hbm>> -> memref<512xi32, #tpu.memory_space<hbm>>
      tpu.enqueue_dma source(%dma_start3A_6 : memref<512xi32, #tpu.memory_space<hbm>>) target(%arg6 : memref<512xi32, #tpu.memory_space<vmem>>) target_semaphore(%run_scoped3A : memref<!tpu.dma_semaphore, #tpu.memory_space<semaphore_mem>>)
      %dma_wait3A_7 = tpu.memref_slice %arg3[%mul3A_2] : memref<16384xi32, #tpu.memory_space<hbm>> -> memref<512xi32, #tpu.memory_space<hbm>>
      %dma_wait3A_8 = tpu.memref_slice %arg3[%mul3A_2] : memref<16384xi32, #tpu.memory_space<hbm>> -> memref<512xi32, #tpu.memory_space<hbm>>
      tpu.wait_dma2 semaphore(%run_scoped3A : memref<!tpu.dma_semaphore, #tpu.memory_space<semaphore_mem>>) src(%dma_wait3A_8 : memref<512xi32, #tpu.memory_space<hbm>>) dst(%arg6 : memref<512xi32, #tpu.memory_space<vmem>>)
      tpu.yield
    }) : () -> ()
    %dma_start3A = arith.constant 0 : i32
    %dma_start3A_3 = tpu.memref_slice %arg4[%dma_start3A] : memref<100000xi32, #tpu.memory_space<hbm>> -> memref<100000xi32, #tpu.memory_space<hbm>>
    tpu.enqueue_indirect_dma source(%arg6 : memref<512xi32, #tpu.memory_space<vmem>>) target(%dma_start3A_3 : memref<100000xi32, #tpu.memory_space<hbm>>) offsets(%arg5 : memref<512xi32, #tpu.memory_space<vmem>>) semaphore(%arg7 : memref<!tpu.dma_semaphore, #tpu.memory_space<semaphore_mem>>)
    %dma_wait3A = arith.constant 0 : i32
    %dma_wait3A_4 = tpu.memref_slice %arg4[%dma_wait3A] : memref<100000xi32, #tpu.memory_space<hbm>> -> memref<100000xi32, #tpu.memory_space<hbm>>
    tpu.wait_indirect_dma semaphore(%arg7 : memref<!tpu.dma_semaphore, #tpu.memory_space<semaphore_mem>>) src(%arg6 : memref<512xi32, #tpu.memory_space<vmem>>) dst(%dma_wait3A_4 : memref<100000xi32, #tpu.memory_space<hbm>>)
    return
  }
}

#map = affine_map<(d0, d1) -> (0, 0, 0)>
#map1 = affine_map<(d0, d1) -> (0)>
#map2 = affine_map<(d0, d1) -> (0, 0)>
module attributes {stable_mosaic.version = 14 : i64} {
  func.func @_sc_gather_rows(%arg0: i32, %arg1: i32, %arg2: memref<32x8x64xi32, #tpu.memory_space<hbm>>, %arg3: memref<100000xi32, #tpu.memory_space<hbm>>, %arg4: memref<16384x1000xf32, #tpu.memory_space<hbm>>, %arg5: memref<16384x1000xf32, #tpu.memory_space<hbm>>, %arg6: memref<8x64xi32, #tpu.memory_space<vmem>>, %arg7: memref<8x64xi32, #tpu.memory_space<vmem>>, %arg8: memref<64x1000xf32, #tpu.memory_space<vmem>>, %arg9: memref<64x1000xf32, #tpu.memory_space<vmem>>, %arg10: memref<!tpu.dma_semaphore, #tpu.memory_space<semaphore_mem>>, %arg11: memref<!tpu.dma_semaphore, #tpu.memory_space<semaphore_mem>>, %arg12: memref<!tpu.dma_semaphore, #tpu.memory_space<semaphore_mem>>, %arg13: memref<!tpu.dma_semaphore, #tpu.memory_space<semaphore_mem>>, %arg14: memref<!tpu.dma_semaphore, #tpu.memory_space<semaphore_mem>>) attributes {dimension_semantics = [#tpu.dimension_semantics<core_parallel>, #tpu.dimension_semantics<subcore_parallel>], iteration_bounds = array<i64: 2, 16>, scalar_prefetch = 0 : i64, scratch_operands = 9 : i64, tpu.core_type = #tpu.core_type<sc_vector_subcore>, window_params = [{transform_indices = #map}, {transform_indices = #map1}, {transform_indices = #map2}, {transform_indices = #map2}]} {
    %mul3A = arith.constant 2 : i32
    %mul3A_0 = arith.muli %arg1, %mul3A : i32
    %add3A = arith.addi %mul3A_0, %arg0 : i32
    %mul3A_1 = arith.constant 512 : i32
    %mul3A_2 = arith.muli %add3A, %mul3A_1 : i32
    "tpu.region"() ({
      %run_scoped3A = tpu.sem_alloc : memref<!tpu.dma_semaphore, #tpu.memory_space<semaphore_mem>>
      %dma_start3A_353 = arith.constant 0 : i32
      %dma_start3A_354 = arith.constant 0 : i32
      %dma_start3A_355 = tpu.memref_slice %arg2[%add3A, %dma_start3A_353, %dma_start3A_354] : memref<32x8x64xi32, #tpu.memory_space<hbm>> -> memref<1x8x64xi32, #tpu.memory_space<hbm>>
      %dma_start3A_356 = tpu.memref_squeeze %dma_start3A_355 : memref<1x8x64xi32, #tpu.memory_space<hbm>> -> memref<8x64xi32, #tpu.memory_space<hbm>>
      %dma_start3A_357 = arith.constant 0 : i32
      %dma_start3A_358 = arith.constant 0 : i32
      %dma_start3A_359 = tpu.memref_slice %arg2[%add3A, %dma_start3A_357, %dma_start3A_358] : memref<32x8x64xi32, #tpu.memory_space<hbm>> -> memref<1x8x64xi32, #tpu.memory_space<hbm>>
      %dma_start3A_360 = tpu.memref_squeeze %dma_start3A_359 : memref<1x8x64xi32, #tpu.memory_space<hbm>> -> memref<8x64xi32, #tpu.memory_space<hbm>>
      tpu.enqueue_dma source(%dma_start3A_360 : memref<8x64xi32, #tpu.memory_space<hbm>>) target(%arg6 : memref<8x64xi32, #tpu.memory_space<vmem>>) target_semaphore(%run_scoped3A : memref<!tpu.dma_semaphore, #tpu.memory_space<semaphore_mem>>)
      %dma_wait3A_361 = arith.constant 0 : i32
      %dma_wait3A_362 = arith.constant 0 : i32
      %dma_wait3A_363 = tpu.memref_slice %arg2[%add3A, %dma_wait3A_361, %dma_wait3A_362] : memref<32x8x64xi32, #tpu.memory_space<hbm>> -> memref<1x8x64xi32, #tpu.memory_space<hbm>>
      %dma_wait3A_364 = tpu.memref_squeeze %dma_wait3A_363 : memref<1x8x64xi32, #tpu.memory_space<hbm>> -> memref<8x64xi32, #tpu.memory_space<hbm>>
      %dma_wait3A_365 = arith.constant 0 : i32
      %dma_wait3A_366 = arith.constant 0 : i32
      %dma_wait3A_367 = tpu.memref_slice %arg2[%add3A, %dma_wait3A_365, %dma_wait3A_366] : memref<32x8x64xi32, #tpu.memory_space<hbm>> -> memref<1x8x64xi32, #tpu.memory_space<hbm>>
      %dma_wait3A_368 = tpu.memref_squeeze %dma_wait3A_367 : memref<1x8x64xi32, #tpu.memory_space<hbm>> -> memref<8x64xi32, #tpu.memory_space<hbm>>
      tpu.wait_dma2 semaphore(%run_scoped3A : memref<!tpu.dma_semaphore, #tpu.memory_space<semaphore_mem>>) src(%dma_wait3A_368 : memref<8x64xi32, #tpu.memory_space<hbm>>) dst(%arg6 : memref<8x64xi32, #tpu.memory_space<vmem>>)
      tpu.yield
    }) : () -> ()
    %dma_start3A = arith.constant 0 : i32
    %dma_start3A_3 = arith.constant 0 : i32
    %dma_start3A_4 = arith.constant 0 : i32
    %dma_start3A_5 = tpu.memref_slice %arg7[%dma_start3A_3, %dma_start3A_4] : memref<8x64xi32, #tpu.memory_space<vmem>> -> memref<1x64xi32, #tpu.memory_space<vmem>>
    %dma_start3A_6 = tpu.memref_squeeze %dma_start3A_5 : memref<1x64xi32, #tpu.memory_space<vmem>> -> memref<64xi32, #tpu.memory_space<vmem>>
    %dma_start3A_7 = arith.constant 0 : i32
    %dma_start3A_8 = tpu.memref_slice %arg6[%dma_start3A, %dma_start3A_7] : memref<8x64xi32, #tpu.memory_space<vmem>> -> memref<1x64xi32, #tpu.memory_space<vmem>>
    %dma_start3A_9 = tpu.memref_squeeze %dma_start3A_8 : memref<1x64xi32, #tpu.memory_space<vmem>> -> memref<64xi32, #tpu.memory_space<vmem>>
    %dma_start3A_10 = arith.constant 0 : i32
    %dma_start3A_11 = tpu.memref_slice %arg3[%dma_start3A_10] : memref<100000xi32, #tpu.memory_space<hbm>> -> memref<100000xi32, #tpu.memory_space<hbm>>
    tpu.enqueue_indirect_dma source(%dma_start3A_11 : memref<100000xi32, #tpu.memory_space<hbm>>) target(%dma_start3A_6 : memref<64xi32, #tpu.memory_space<vmem>>) offsets(%dma_start3A_9 : memref<64xi32, #tpu.memory_space<vmem>>) semaphore(%arg10 : memref<!tpu.dma_semaphore, #tpu.memory_space<semaphore_mem>>)
    %dma_start3A_12 = arith.constant 1 : i32
    %dma_start3A_13 = arith.constant 1 : i32
    %dma_start3A_14 = arith.constant 0 : i32
    %dma_start3A_15 = tpu.memref_slice %arg7[%dma_start3A_13, %dma_start3A_14] : memref<8x64xi32, #tpu.memory_space<vmem>> -> memref<1x64xi32, #tpu.memory_space<vmem>>
    %dma_start3A_16 = tpu.memref_squeeze %dma_start3A_15 : memref<1x64xi32, #tpu.memory_space<vmem>> -> memref<64xi32, #tpu.memory_space<vmem>>
    %dma_start3A_17 = arith.constant 0 : i32
    %dma_start3A_18 = tpu.memref_slice %arg6[%dma_start3A_12, %dma_start3A_17] : memref<8x64xi32, #tpu.memory_space<vmem>> -> memref<1x64xi32, #tpu.memory_space<vmem>>
    %dma_start3A_19 = tpu.memref_squeeze %dma_start3A_18 : memref<1x64xi32, #tpu.memory_space<vmem>> -> memref<64xi32, #tpu.memory_space<vmem>>
    %dma_start3A_20 = arith.constant 0 : i32
    %dma_start3A_21 = tpu.memref_slice %arg3[%dma_start3A_20] : memref<100000xi32, #tpu.memory_space<hbm>> -> memref<100000xi32, #tpu.memory_space<hbm>>
    tpu.enqueue_indirect_dma source(%dma_start3A_21 : memref<100000xi32, #tpu.memory_space<hbm>>) target(%dma_start3A_16 : memref<64xi32, #tpu.memory_space<vmem>>) offsets(%dma_start3A_19 : memref<64xi32, #tpu.memory_space<vmem>>) semaphore(%arg10 : memref<!tpu.dma_semaphore, #tpu.memory_space<semaphore_mem>>)
    %dma_start3A_22 = arith.constant 2 : i32
    %dma_start3A_23 = arith.constant 2 : i32
    %dma_start3A_24 = arith.constant 0 : i32
    %dma_start3A_25 = tpu.memref_slice %arg7[%dma_start3A_23, %dma_start3A_24] : memref<8x64xi32, #tpu.memory_space<vmem>> -> memref<1x64xi32, #tpu.memory_space<vmem>>
    %dma_start3A_26 = tpu.memref_squeeze %dma_start3A_25 : memref<1x64xi32, #tpu.memory_space<vmem>> -> memref<64xi32, #tpu.memory_space<vmem>>
    %dma_start3A_27 = arith.constant 0 : i32
    %dma_start3A_28 = tpu.memref_slice %arg6[%dma_start3A_22, %dma_start3A_27] : memref<8x64xi32, #tpu.memory_space<vmem>> -> memref<1x64xi32, #tpu.memory_space<vmem>>
    %dma_start3A_29 = tpu.memref_squeeze %dma_start3A_28 : memref<1x64xi32, #tpu.memory_space<vmem>> -> memref<64xi32, #tpu.memory_space<vmem>>
    %dma_start3A_30 = arith.constant 0 : i32
    %dma_start3A_31 = tpu.memref_slice %arg3[%dma_start3A_30] : memref<100000xi32, #tpu.memory_space<hbm>> -> memref<100000xi32, #tpu.memory_space<hbm>>
    tpu.enqueue_indirect_dma source(%dma_start3A_31 : memref<100000xi32, #tpu.memory_space<hbm>>) target(%dma_start3A_26 : memref<64xi32, #tpu.memory_space<vmem>>) offsets(%dma_start3A_29 : memref<64xi32, #tpu.memory_space<vmem>>) semaphore(%arg10 : memref<!tpu.dma_semaphore, #tpu.memory_space<semaphore_mem>>)
    %dma_start3A_32 = arith.constant 3 : i32
    %dma_start3A_33 = arith.constant 3 : i32
    %dma_start3A_34 = arith.constant 0 : i32
    %dma_start3A_35 = tpu.memref_slice %arg7[%dma_start3A_33, %dma_start3A_34] : memref<8x64xi32, #tpu.memory_space<vmem>> -> memref<1x64xi32, #tpu.memory_space<vmem>>
    %dma_start3A_36 = tpu.memref_squeeze %dma_start3A_35 : memref<1x64xi32, #tpu.memory_space<vmem>> -> memref<64xi32, #tpu.memory_space<vmem>>
    %dma_start3A_37 = arith.constant 0 : i32
    %dma_start3A_38 = tpu.memref_slice %arg6[%dma_start3A_32, %dma_start3A_37] : memref<8x64xi32, #tpu.memory_space<vmem>> -> memref<1x64xi32, #tpu.memory_space<vmem>>
    %dma_start3A_39 = tpu.memref_squeeze %dma_start3A_38 : memref<1x64xi32, #tpu.memory_space<vmem>> -> memref<64xi32, #tpu.memory_space<vmem>>
    %dma_start3A_40 = arith.constant 0 : i32
    %dma_start3A_41 = tpu.memref_slice %arg3[%dma_start3A_40] : memref<100000xi32, #tpu.memory_space<hbm>> -> memref<100000xi32, #tpu.memory_space<hbm>>
    tpu.enqueue_indirect_dma source(%dma_start3A_41 : memref<100000xi32, #tpu.memory_space<hbm>>) target(%dma_start3A_36 : memref<64xi32, #tpu.memory_space<vmem>>) offsets(%dma_start3A_39 : memref<64xi32, #tpu.memory_space<vmem>>) semaphore(%arg10 : memref<!tpu.dma_semaphore, #tpu.memory_space<semaphore_mem>>)
    %dma_start3A_42 = arith.constant 4 : i32
    %dma_start3A_43 = arith.constant 4 : i32
    %dma_start3A_44 = arith.constant 0 : i32
    %dma_start3A_45 = tpu.memref_slice %arg7[%dma_start3A_43, %dma_start3A_44] : memref<8x64xi32, #tpu.memory_space<vmem>> -> memref<1x64xi32, #tpu.memory_space<vmem>>
    %dma_start3A_46 = tpu.memref_squeeze %dma_start3A_45 : memref<1x64xi32, #tpu.memory_space<vmem>> -> memref<64xi32, #tpu.memory_space<vmem>>
    %dma_start3A_47 = arith.constant 0 : i32
    %dma_start3A_48 = tpu.memref_slice %arg6[%dma_start3A_42, %dma_start3A_47] : memref<8x64xi32, #tpu.memory_space<vmem>> -> memref<1x64xi32, #tpu.memory_space<vmem>>
    %dma_start3A_49 = tpu.memref_squeeze %dma_start3A_48 : memref<1x64xi32, #tpu.memory_space<vmem>> -> memref<64xi32, #tpu.memory_space<vmem>>
    %dma_start3A_50 = arith.constant 0 : i32
    %dma_start3A_51 = tpu.memref_slice %arg3[%dma_start3A_50] : memref<100000xi32, #tpu.memory_space<hbm>> -> memref<100000xi32, #tpu.memory_space<hbm>>
    tpu.enqueue_indirect_dma source(%dma_start3A_51 : memref<100000xi32, #tpu.memory_space<hbm>>) target(%dma_start3A_46 : memref<64xi32, #tpu.memory_space<vmem>>) offsets(%dma_start3A_49 : memref<64xi32, #tpu.memory_space<vmem>>) semaphore(%arg10 : memref<!tpu.dma_semaphore, #tpu.memory_space<semaphore_mem>>)
    %dma_start3A_52 = arith.constant 5 : i32
    %dma_start3A_53 = arith.constant 5 : i32
    %dma_start3A_54 = arith.constant 0 : i32
    %dma_start3A_55 = tpu.memref_slice %arg7[%dma_start3A_53, %dma_start3A_54] : memref<8x64xi32, #tpu.memory_space<vmem>> -> memref<1x64xi32, #tpu.memory_space<vmem>>
    %dma_start3A_56 = tpu.memref_squeeze %dma_start3A_55 : memref<1x64xi32, #tpu.memory_space<vmem>> -> memref<64xi32, #tpu.memory_space<vmem>>
    %dma_start3A_57 = arith.constant 0 : i32
    %dma_start3A_58 = tpu.memref_slice %arg6[%dma_start3A_52, %dma_start3A_57] : memref<8x64xi32, #tpu.memory_space<vmem>> -> memref<1x64xi32, #tpu.memory_space<vmem>>
    %dma_start3A_59 = tpu.memref_squeeze %dma_start3A_58 : memref<1x64xi32, #tpu.memory_space<vmem>> -> memref<64xi32, #tpu.memory_space<vmem>>
    %dma_start3A_60 = arith.constant 0 : i32
    %dma_start3A_61 = tpu.memref_slice %arg3[%dma_start3A_60] : memref<100000xi32, #tpu.memory_space<hbm>> -> memref<100000xi32, #tpu.memory_space<hbm>>
    tpu.enqueue_indirect_dma source(%dma_start3A_61 : memref<100000xi32, #tpu.memory_space<hbm>>) target(%dma_start3A_56 : memref<64xi32, #tpu.memory_space<vmem>>) offsets(%dma_start3A_59 : memref<64xi32, #tpu.memory_space<vmem>>) semaphore(%arg10 : memref<!tpu.dma_semaphore, #tpu.memory_space<semaphore_mem>>)
    %dma_start3A_62 = arith.constant 6 : i32
    %dma_start3A_63 = arith.constant 6 : i32
    %dma_start3A_64 = arith.constant 0 : i32
    %dma_start3A_65 = tpu.memref_slice %arg7[%dma_start3A_63, %dma_start3A_64] : memref<8x64xi32, #tpu.memory_space<vmem>> -> memref<1x64xi32, #tpu.memory_space<vmem>>
    %dma_start3A_66 = tpu.memref_squeeze %dma_start3A_65 : memref<1x64xi32, #tpu.memory_space<vmem>> -> memref<64xi32, #tpu.memory_space<vmem>>
    %dma_start3A_67 = arith.constant 0 : i32
    %dma_start3A_68 = tpu.memref_slice %arg6[%dma_start3A_62, %dma_start3A_67] : memref<8x64xi32, #tpu.memory_space<vmem>> -> memref<1x64xi32, #tpu.memory_space<vmem>>
    %dma_start3A_69 = tpu.memref_squeeze %dma_start3A_68 : memref<1x64xi32, #tpu.memory_space<vmem>> -> memref<64xi32, #tpu.memory_space<vmem>>
    %dma_start3A_70 = arith.constant 0 : i32
    %dma_start3A_71 = tpu.memref_slice %arg3[%dma_start3A_70] : memref<100000xi32, #tpu.memory_space<hbm>> -> memref<100000xi32, #tpu.memory_space<hbm>>
    tpu.enqueue_indirect_dma source(%dma_start3A_71 : memref<100000xi32, #tpu.memory_space<hbm>>) target(%dma_start3A_66 : memref<64xi32, #tpu.memory_space<vmem>>) offsets(%dma_start3A_69 : memref<64xi32, #tpu.memory_space<vmem>>) semaphore(%arg10 : memref<!tpu.dma_semaphore, #tpu.memory_space<semaphore_mem>>)
    %dma_start3A_72 = arith.constant 7 : i32
    %dma_start3A_73 = arith.constant 7 : i32
    %dma_start3A_74 = arith.constant 0 : i32
    %dma_start3A_75 = tpu.memref_slice %arg7[%dma_start3A_73, %dma_start3A_74] : memref<8x64xi32, #tpu.memory_space<vmem>> -> memref<1x64xi32, #tpu.memory_space<vmem>>
    %dma_start3A_76 = tpu.memref_squeeze %dma_start3A_75 : memref<1x64xi32, #tpu.memory_space<vmem>> -> memref<64xi32, #tpu.memory_space<vmem>>
    %dma_start3A_77 = arith.constant 0 : i32
    %dma_start3A_78 = tpu.memref_slice %arg6[%dma_start3A_72, %dma_start3A_77] : memref<8x64xi32, #tpu.memory_space<vmem>> -> memref<1x64xi32, #tpu.memory_space<vmem>>
    %dma_start3A_79 = tpu.memref_squeeze %dma_start3A_78 : memref<1x64xi32, #tpu.memory_space<vmem>> -> memref<64xi32, #tpu.memory_space<vmem>>
    %dma_start3A_80 = arith.constant 0 : i32
    %dma_start3A_81 = tpu.memref_slice %arg3[%dma_start3A_80] : memref<100000xi32, #tpu.memory_space<hbm>> -> memref<100000xi32, #tpu.memory_space<hbm>>
    tpu.enqueue_indirect_dma source(%dma_start3A_81 : memref<100000xi32, #tpu.memory_space<hbm>>) target(%dma_start3A_76 : memref<64xi32, #tpu.memory_space<vmem>>) offsets(%dma_start3A_79 : memref<64xi32, #tpu.memory_space<vmem>>) semaphore(%arg10 : memref<!tpu.dma_semaphore, #tpu.memory_space<semaphore_mem>>)
    %dma_wait3A = arith.constant 0 : i32
    %dma_wait3A_82 = arith.constant 0 : i32
    %dma_wait3A_83 = arith.constant 0 : i32
    %dma_wait3A_84 = tpu.memref_slice %arg7[%dma_wait3A_82, %dma_wait3A_83] : memref<8x64xi32, #tpu.memory_space<vmem>> -> memref<1x64xi32, #tpu.memory_space<vmem>>
    %dma_wait3A_85 = tpu.memref_squeeze %dma_wait3A_84 : memref<1x64xi32, #tpu.memory_space<vmem>> -> memref<64xi32, #tpu.memory_space<vmem>>
    %dma_wait3A_86 = arith.constant 0 : i32
    %dma_wait3A_87 = tpu.memref_slice %arg6[%dma_wait3A, %dma_wait3A_86] : memref<8x64xi32, #tpu.memory_space<vmem>> -> memref<1x64xi32, #tpu.memory_space<vmem>>
    %dma_wait3A_88 = tpu.memref_squeeze %dma_wait3A_87 : memref<1x64xi32, #tpu.memory_space<vmem>> -> memref<64xi32, #tpu.memory_space<vmem>>
    %dma_wait3A_89 = arith.constant 0 : i32
    %dma_wait3A_90 = tpu.memref_slice %arg3[%dma_wait3A_89] : memref<100000xi32, #tpu.memory_space<hbm>> -> memref<100000xi32, #tpu.memory_space<hbm>>
    tpu.wait_indirect_dma semaphore(%arg10 : memref<!tpu.dma_semaphore, #tpu.memory_space<semaphore_mem>>) src(%dma_wait3A_90 : memref<100000xi32, #tpu.memory_space<hbm>>) dst(%dma_wait3A_85 : memref<64xi32, #tpu.memory_space<vmem>>)
    %dma_wait3A_91 = arith.constant 1 : i32
    %dma_wait3A_92 = arith.constant 1 : i32
    %dma_wait3A_93 = arith.constant 0 : i32
    %dma_wait3A_94 = tpu.memref_slice %arg7[%dma_wait3A_92, %dma_wait3A_93] : memref<8x64xi32, #tpu.memory_space<vmem>> -> memref<1x64xi32, #tpu.memory_space<vmem>>
    %dma_wait3A_95 = tpu.memref_squeeze %dma_wait3A_94 : memref<1x64xi32, #tpu.memory_space<vmem>> -> memref<64xi32, #tpu.memory_space<vmem>>
    %dma_wait3A_96 = arith.constant 0 : i32
    %dma_wait3A_97 = tpu.memref_slice %arg6[%dma_wait3A_91, %dma_wait3A_96] : memref<8x64xi32, #tpu.memory_space<vmem>> -> memref<1x64xi32, #tpu.memory_space<vmem>>
    %dma_wait3A_98 = tpu.memref_squeeze %dma_wait3A_97 : memref<1x64xi32, #tpu.memory_space<vmem>> -> memref<64xi32, #tpu.memory_space<vmem>>
    %dma_wait3A_99 = arith.constant 0 : i32
    %dma_wait3A_100 = tpu.memref_slice %arg3[%dma_wait3A_99] : memref<100000xi32, #tpu.memory_space<hbm>> -> memref<100000xi32, #tpu.memory_space<hbm>>
    tpu.wait_indirect_dma semaphore(%arg10 : memref<!tpu.dma_semaphore, #tpu.memory_space<semaphore_mem>>) src(%dma_wait3A_100 : memref<100000xi32, #tpu.memory_space<hbm>>) dst(%dma_wait3A_95 : memref<64xi32, #tpu.memory_space<vmem>>)
    %dma_wait3A_101 = arith.constant 2 : i32
    %dma_wait3A_102 = arith.constant 2 : i32
    %dma_wait3A_103 = arith.constant 0 : i32
    %dma_wait3A_104 = tpu.memref_slice %arg7[%dma_wait3A_102, %dma_wait3A_103] : memref<8x64xi32, #tpu.memory_space<vmem>> -> memref<1x64xi32, #tpu.memory_space<vmem>>
    %dma_wait3A_105 = tpu.memref_squeeze %dma_wait3A_104 : memref<1x64xi32, #tpu.memory_space<vmem>> -> memref<64xi32, #tpu.memory_space<vmem>>
    %dma_wait3A_106 = arith.constant 0 : i32
    %dma_wait3A_107 = tpu.memref_slice %arg6[%dma_wait3A_101, %dma_wait3A_106] : memref<8x64xi32, #tpu.memory_space<vmem>> -> memref<1x64xi32, #tpu.memory_space<vmem>>
    %dma_wait3A_108 = tpu.memref_squeeze %dma_wait3A_107 : memref<1x64xi32, #tpu.memory_space<vmem>> -> memref<64xi32, #tpu.memory_space<vmem>>
    %dma_wait3A_109 = arith.constant 0 : i32
    %dma_wait3A_110 = tpu.memref_slice %arg3[%dma_wait3A_109] : memref<100000xi32, #tpu.memory_space<hbm>> -> memref<100000xi32, #tpu.memory_space<hbm>>
    tpu.wait_indirect_dma semaphore(%arg10 : memref<!tpu.dma_semaphore, #tpu.memory_space<semaphore_mem>>) src(%dma_wait3A_110 : memref<100000xi32, #tpu.memory_space<hbm>>) dst(%dma_wait3A_105 : memref<64xi32, #tpu.memory_space<vmem>>)
    %dma_wait3A_111 = arith.constant 3 : i32
    %dma_wait3A_112 = arith.constant 3 : i32
    %dma_wait3A_113 = arith.constant 0 : i32
    %dma_wait3A_114 = tpu.memref_slice %arg7[%dma_wait3A_112, %dma_wait3A_113] : memref<8x64xi32, #tpu.memory_space<vmem>> -> memref<1x64xi32, #tpu.memory_space<vmem>>
    %dma_wait3A_115 = tpu.memref_squeeze %dma_wait3A_114 : memref<1x64xi32, #tpu.memory_space<vmem>> -> memref<64xi32, #tpu.memory_space<vmem>>
    %dma_wait3A_116 = arith.constant 0 : i32
    %dma_wait3A_117 = tpu.memref_slice %arg6[%dma_wait3A_111, %dma_wait3A_116] : memref<8x64xi32, #tpu.memory_space<vmem>> -> memref<1x64xi32, #tpu.memory_space<vmem>>
    %dma_wait3A_118 = tpu.memref_squeeze %dma_wait3A_117 : memref<1x64xi32, #tpu.memory_space<vmem>> -> memref<64xi32, #tpu.memory_space<vmem>>
    %dma_wait3A_119 = arith.constant 0 : i32
    %dma_wait3A_120 = tpu.memref_slice %arg3[%dma_wait3A_119] : memref<100000xi32, #tpu.memory_space<hbm>> -> memref<100000xi32, #tpu.memory_space<hbm>>
    tpu.wait_indirect_dma semaphore(%arg10 : memref<!tpu.dma_semaphore, #tpu.memory_space<semaphore_mem>>) src(%dma_wait3A_120 : memref<100000xi32, #tpu.memory_space<hbm>>) dst(%dma_wait3A_115 : memref<64xi32, #tpu.memory_space<vmem>>)
    %dma_wait3A_121 = arith.constant 4 : i32
    %dma_wait3A_122 = arith.constant 4 : i32
    %dma_wait3A_123 = arith.constant 0 : i32
    %dma_wait3A_124 = tpu.memref_slice %arg7[%dma_wait3A_122, %dma_wait3A_123] : memref<8x64xi32, #tpu.memory_space<vmem>> -> memref<1x64xi32, #tpu.memory_space<vmem>>
    %dma_wait3A_125 = tpu.memref_squeeze %dma_wait3A_124 : memref<1x64xi32, #tpu.memory_space<vmem>> -> memref<64xi32, #tpu.memory_space<vmem>>
    %dma_wait3A_126 = arith.constant 0 : i32
    %dma_wait3A_127 = tpu.memref_slice %arg6[%dma_wait3A_121, %dma_wait3A_126] : memref<8x64xi32, #tpu.memory_space<vmem>> -> memref<1x64xi32, #tpu.memory_space<vmem>>
    %dma_wait3A_128 = tpu.memref_squeeze %dma_wait3A_127 : memref<1x64xi32, #tpu.memory_space<vmem>> -> memref<64xi32, #tpu.memory_space<vmem>>
    %dma_wait3A_129 = arith.constant 0 : i32
    %dma_wait3A_130 = tpu.memref_slice %arg3[%dma_wait3A_129] : memref<100000xi32, #tpu.memory_space<hbm>> -> memref<100000xi32, #tpu.memory_space<hbm>>
    tpu.wait_indirect_dma semaphore(%arg10 : memref<!tpu.dma_semaphore, #tpu.memory_space<semaphore_mem>>) src(%dma_wait3A_130 : memref<100000xi32, #tpu.memory_space<hbm>>) dst(%dma_wait3A_125 : memref<64xi32, #tpu.memory_space<vmem>>)
    %dma_wait3A_131 = arith.constant 5 : i32
    %dma_wait3A_132 = arith.constant 5 : i32
    %dma_wait3A_133 = arith.constant 0 : i32
    %dma_wait3A_134 = tpu.memref_slice %arg7[%dma_wait3A_132, %dma_wait3A_133] : memref<8x64xi32, #tpu.memory_space<vmem>> -> memref<1x64xi32, #tpu.memory_space<vmem>>
    %dma_wait3A_135 = tpu.memref_squeeze %dma_wait3A_134 : memref<1x64xi32, #tpu.memory_space<vmem>> -> memref<64xi32, #tpu.memory_space<vmem>>
    %dma_wait3A_136 = arith.constant 0 : i32
    %dma_wait3A_137 = tpu.memref_slice %arg6[%dma_wait3A_131, %dma_wait3A_136] : memref<8x64xi32, #tpu.memory_space<vmem>> -> memref<1x64xi32, #tpu.memory_space<vmem>>
    %dma_wait3A_138 = tpu.memref_squeeze %dma_wait3A_137 : memref<1x64xi32, #tpu.memory_space<vmem>> -> memref<64xi32, #tpu.memory_space<vmem>>
    %dma_wait3A_139 = arith.constant 0 : i32
    %dma_wait3A_140 = tpu.memref_slice %arg3[%dma_wait3A_139] : memref<100000xi32, #tpu.memory_space<hbm>> -> memref<100000xi32, #tpu.memory_space<hbm>>
    tpu.wait_indirect_dma semaphore(%arg10 : memref<!tpu.dma_semaphore, #tpu.memory_space<semaphore_mem>>) src(%dma_wait3A_140 : memref<100000xi32, #tpu.memory_space<hbm>>) dst(%dma_wait3A_135 : memref<64xi32, #tpu.memory_space<vmem>>)
    %dma_wait3A_141 = arith.constant 6 : i32
    %dma_wait3A_142 = arith.constant 6 : i32
    %dma_wait3A_143 = arith.constant 0 : i32
    %dma_wait3A_144 = tpu.memref_slice %arg7[%dma_wait3A_142, %dma_wait3A_143] : memref<8x64xi32, #tpu.memory_space<vmem>> -> memref<1x64xi32, #tpu.memory_space<vmem>>
    %dma_wait3A_145 = tpu.memref_squeeze %dma_wait3A_144 : memref<1x64xi32, #tpu.memory_space<vmem>> -> memref<64xi32, #tpu.memory_space<vmem>>
    %dma_wait3A_146 = arith.constant 0 : i32
    %dma_wait3A_147 = tpu.memref_slice %arg6[%dma_wait3A_141, %dma_wait3A_146] : memref<8x64xi32, #tpu.memory_space<vmem>> -> memref<1x64xi32, #tpu.memory_space<vmem>>
    %dma_wait3A_148 = tpu.memref_squeeze %dma_wait3A_147 : memref<1x64xi32, #tpu.memory_space<vmem>> -> memref<64xi32, #tpu.memory_space<vmem>>
    %dma_wait3A_149 = arith.constant 0 : i32
    %dma_wait3A_150 = tpu.memref_slice %arg3[%dma_wait3A_149] : memref<100000xi32, #tpu.memory_space<hbm>> -> memref<100000xi32, #tpu.memory_space<hbm>>
    tpu.wait_indirect_dma semaphore(%arg10 : memref<!tpu.dma_semaphore, #tpu.memory_space<semaphore_mem>>) src(%dma_wait3A_150 : memref<100000xi32, #tpu.memory_space<hbm>>) dst(%dma_wait3A_145 : memref<64xi32, #tpu.memory_space<vmem>>)
    %dma_wait3A_151 = arith.constant 7 : i32
    %dma_wait3A_152 = arith.constant 7 : i32
    %dma_wait3A_153 = arith.constant 0 : i32
    %dma_wait3A_154 = tpu.memref_slice %arg7[%dma_wait3A_152, %dma_wait3A_153] : memref<8x64xi32, #tpu.memory_space<vmem>> -> memref<1x64xi32, #tpu.memory_space<vmem>>
    %dma_wait3A_155 = tpu.memref_squeeze %dma_wait3A_154 : memref<1x64xi32, #tpu.memory_space<vmem>> -> memref<64xi32, #tpu.memory_space<vmem>>
    %dma_wait3A_156 = arith.constant 0 : i32
    %dma_wait3A_157 = tpu.memref_slice %arg6[%dma_wait3A_151, %dma_wait3A_156] : memref<8x64xi32, #tpu.memory_space<vmem>> -> memref<1x64xi32, #tpu.memory_space<vmem>>
    %dma_wait3A_158 = tpu.memref_squeeze %dma_wait3A_157 : memref<1x64xi32, #tpu.memory_space<vmem>> -> memref<64xi32, #tpu.memory_space<vmem>>
    %dma_wait3A_159 = arith.constant 0 : i32
    %dma_wait3A_160 = tpu.memref_slice %arg3[%dma_wait3A_159] : memref<100000xi32, #tpu.memory_space<hbm>> -> memref<100000xi32, #tpu.memory_space<hbm>>
    tpu.wait_indirect_dma semaphore(%arg10 : memref<!tpu.dma_semaphore, #tpu.memory_space<semaphore_mem>>) src(%dma_wait3A_160 : memref<100000xi32, #tpu.memory_space<hbm>>) dst(%dma_wait3A_155 : memref<64xi32, #tpu.memory_space<vmem>>)
    %dma_start3A_161 = arith.constant 0 : i32
    %dma_start3A_162 = arith.constant 0 : i32
    %dma_start3A_163 = tpu.memref_slice %arg7[%dma_start3A_161, %dma_start3A_162] : memref<8x64xi32, #tpu.memory_space<vmem>> -> memref<1x64xi32, #tpu.memory_space<vmem>>
    %dma_start3A_164 = tpu.memref_squeeze %dma_start3A_163 : memref<1x64xi32, #tpu.memory_space<vmem>> -> memref<64xi32, #tpu.memory_space<vmem>>
    %dma_start3A_165 = arith.constant 0 : i32
    %dma_start3A_166 = arith.constant 0 : i32
    %dma_start3A_167 = tpu.memref_slice %arg4[%dma_start3A_165, %dma_start3A_166] : memref<16384x1000xf32, #tpu.memory_space<hbm>> -> memref<16384x1000xf32, #tpu.memory_space<hbm>>
    tpu.enqueue_indirect_dma source(%dma_start3A_167 : memref<16384x1000xf32, #tpu.memory_space<hbm>>) target(%arg8 : memref<64x1000xf32, #tpu.memory_space<vmem>>) offsets(%dma_start3A_164 : memref<64xi32, #tpu.memory_space<vmem>>) semaphore(%arg11 : memref<!tpu.dma_semaphore, #tpu.memory_space<semaphore_mem>>)
    %dma_start3A_168 = arith.constant 1 : i32
    %dma_start3A_169 = arith.constant 0 : i32
    %dma_start3A_170 = tpu.memref_slice %arg7[%dma_start3A_168, %dma_start3A_169] : memref<8x64xi32, #tpu.memory_space<vmem>> -> memref<1x64xi32, #tpu.memory_space<vmem>>
    %dma_start3A_171 = tpu.memref_squeeze %dma_start3A_170 : memref<1x64xi32, #tpu.memory_space<vmem>> -> memref<64xi32, #tpu.memory_space<vmem>>
    %dma_start3A_172 = arith.constant 0 : i32
    %dma_start3A_173 = arith.constant 0 : i32
    %dma_start3A_174 = tpu.memref_slice %arg4[%dma_start3A_172, %dma_start3A_173] : memref<16384x1000xf32, #tpu.memory_space<hbm>> -> memref<16384x1000xf32, #tpu.memory_space<hbm>>
    tpu.enqueue_indirect_dma source(%dma_start3A_174 : memref<16384x1000xf32, #tpu.memory_space<hbm>>) target(%arg9 : memref<64x1000xf32, #tpu.memory_space<vmem>>) offsets(%dma_start3A_171 : memref<64xi32, #tpu.memory_space<vmem>>) semaphore(%arg12 : memref<!tpu.dma_semaphore, #tpu.memory_space<semaphore_mem>>)
    %dma_wait3A_175 = arith.constant 0 : i32
    %dma_wait3A_176 = arith.constant 0 : i32
    %dma_wait3A_177 = tpu.memref_slice %arg7[%dma_wait3A_175, %dma_wait3A_176] : memref<8x64xi32, #tpu.memory_space<vmem>> -> memref<1x64xi32, #tpu.memory_space<vmem>>
    %dma_wait3A_178 = tpu.memref_squeeze %dma_wait3A_177 : memref<1x64xi32, #tpu.memory_space<vmem>> -> memref<64xi32, #tpu.memory_space<vmem>>
    %dma_wait3A_179 = arith.constant 0 : i32
    %dma_wait3A_180 = arith.constant 0 : i32
    %dma_wait3A_181 = tpu.memref_slice %arg4[%dma_wait3A_179, %dma_wait3A_180] : memref<16384x1000xf32, #tpu.memory_space<hbm>> -> memref<16384x1000xf32, #tpu.memory_space<hbm>>
    tpu.wait_indirect_dma semaphore(%arg11 : memref<!tpu.dma_semaphore, #tpu.memory_space<semaphore_mem>>) src(%dma_wait3A_181 : memref<16384x1000xf32, #tpu.memory_space<hbm>>) dst(%arg8 : memref<64x1000xf32, #tpu.memory_space<vmem>>)
    %add3A_182 = arith.constant 0 : i32
    %add3A_183 = arith.addi %mul3A_2, %add3A_182 : i32
    %dma_start3A_184 = arith.constant 0 : i32
    %dma_start3A_185 = tpu.memref_slice %arg5[%add3A_183, %dma_start3A_184] : memref<16384x1000xf32, #tpu.memory_space<hbm>> -> memref<64x1000xf32, #tpu.memory_space<hbm>>
    %dma_start3A_186 = arith.constant 0 : i32
    %dma_start3A_187 = tpu.memref_slice %arg5[%add3A_183, %dma_start3A_186] : memref<16384x1000xf32, #tpu.memory_space<hbm>> -> memref<64x1000xf32, #tpu.memory_space<hbm>>
    tpu.enqueue_dma source(%arg8 : memref<64x1000xf32, #tpu.memory_space<vmem>>) target(%dma_start3A_187 : memref<64x1000xf32, #tpu.memory_space<hbm>>) target_semaphore(%arg13 : memref<!tpu.dma_semaphore, #tpu.memory_space<semaphore_mem>>)
    %dma_wait3A_188 = arith.constant 0 : i32
    %dma_wait3A_189 = tpu.memref_slice %arg5[%add3A_183, %dma_wait3A_188] : memref<16384x1000xf32, #tpu.memory_space<hbm>> -> memref<64x1000xf32, #tpu.memory_space<hbm>>
    %dma_wait3A_190 = arith.constant 0 : i32
    %dma_wait3A_191 = tpu.memref_slice %arg5[%add3A_183, %dma_wait3A_190] : memref<16384x1000xf32, #tpu.memory_space<hbm>> -> memref<64x1000xf32, #tpu.memory_space<hbm>>
    tpu.wait_dma2 semaphore(%arg13 : memref<!tpu.dma_semaphore, #tpu.memory_space<semaphore_mem>>) src(%arg8 : memref<64x1000xf32, #tpu.memory_space<vmem>>) dst(%dma_wait3A_191 : memref<64x1000xf32, #tpu.memory_space<hbm>>)
    %dma_start3A_192 = arith.constant 2 : i32
    %dma_start3A_193 = arith.constant 0 : i32
    %dma_start3A_194 = tpu.memref_slice %arg7[%dma_start3A_192, %dma_start3A_193] : memref<8x64xi32, #tpu.memory_space<vmem>> -> memref<1x64xi32, #tpu.memory_space<vmem>>
    %dma_start3A_195 = tpu.memref_squeeze %dma_start3A_194 : memref<1x64xi32, #tpu.memory_space<vmem>> -> memref<64xi32, #tpu.memory_space<vmem>>
    %dma_start3A_196 = arith.constant 0 : i32
    %dma_start3A_197 = arith.constant 0 : i32
    %dma_start3A_198 = tpu.memref_slice %arg4[%dma_start3A_196, %dma_start3A_197] : memref<16384x1000xf32, #tpu.memory_space<hbm>> -> memref<16384x1000xf32, #tpu.memory_space<hbm>>
    tpu.enqueue_indirect_dma source(%dma_start3A_198 : memref<16384x1000xf32, #tpu.memory_space<hbm>>) target(%arg8 : memref<64x1000xf32, #tpu.memory_space<vmem>>) offsets(%dma_start3A_195 : memref<64xi32, #tpu.memory_space<vmem>>) semaphore(%arg11 : memref<!tpu.dma_semaphore, #tpu.memory_space<semaphore_mem>>)
    %dma_wait3A_199 = arith.constant 1 : i32
    %dma_wait3A_200 = arith.constant 0 : i32
    %dma_wait3A_201 = tpu.memref_slice %arg7[%dma_wait3A_199, %dma_wait3A_200] : memref<8x64xi32, #tpu.memory_space<vmem>> -> memref<1x64xi32, #tpu.memory_space<vmem>>
    %dma_wait3A_202 = tpu.memref_squeeze %dma_wait3A_201 : memref<1x64xi32, #tpu.memory_space<vmem>> -> memref<64xi32, #tpu.memory_space<vmem>>
    %dma_wait3A_203 = arith.constant 0 : i32
    %dma_wait3A_204 = arith.constant 0 : i32
    %dma_wait3A_205 = tpu.memref_slice %arg4[%dma_wait3A_203, %dma_wait3A_204] : memref<16384x1000xf32, #tpu.memory_space<hbm>> -> memref<16384x1000xf32, #tpu.memory_space<hbm>>
    tpu.wait_indirect_dma semaphore(%arg12 : memref<!tpu.dma_semaphore, #tpu.memory_space<semaphore_mem>>) src(%dma_wait3A_205 : memref<16384x1000xf32, #tpu.memory_space<hbm>>) dst(%arg9 : memref<64x1000xf32, #tpu.memory_space<vmem>>)
    %add3A_206 = arith.constant 64 : i32
    %add3A_207 = arith.addi %mul3A_2, %add3A_206 : i32
    %dma_start3A_208 = arith.constant 0 : i32
    %dma_start3A_209 = tpu.memref_slice %arg5[%add3A_207, %dma_start3A_208] : memref<16384x1000xf32, #tpu.memory_space<hbm>> -> memref<64x1000xf32, #tpu.memory_space<hbm>>
    %dma_start3A_210 = arith.constant 0 : i32
    %dma_start3A_211 = tpu.memref_slice %arg5[%add3A_207, %dma_start3A_210] : memref<16384x1000xf32, #tpu.memory_space<hbm>> -> memref<64x1000xf32, #tpu.memory_space<hbm>>
    tpu.enqueue_dma source(%arg9 : memref<64x1000xf32, #tpu.memory_space<vmem>>) target(%dma_start3A_211 : memref<64x1000xf32, #tpu.memory_space<hbm>>) target_semaphore(%arg14 : memref<!tpu.dma_semaphore, #tpu.memory_space<semaphore_mem>>)
    %dma_wait3A_212 = arith.constant 0 : i32
    %dma_wait3A_213 = tpu.memref_slice %arg5[%add3A_207, %dma_wait3A_212] : memref<16384x1000xf32, #tpu.memory_space<hbm>> -> memref<64x1000xf32, #tpu.memory_space<hbm>>
    %dma_wait3A_214 = arith.constant 0 : i32
    %dma_wait3A_215 = tpu.memref_slice %arg5[%add3A_207, %dma_wait3A_214] : memref<16384x1000xf32, #tpu.memory_space<hbm>> -> memref<64x1000xf32, #tpu.memory_space<hbm>>
    tpu.wait_dma2 semaphore(%arg14 : memref<!tpu.dma_semaphore, #tpu.memory_space<semaphore_mem>>) src(%arg9 : memref<64x1000xf32, #tpu.memory_space<vmem>>) dst(%dma_wait3A_215 : memref<64x1000xf32, #tpu.memory_space<hbm>>)
    %dma_start3A_216 = arith.constant 3 : i32
    %dma_start3A_217 = arith.constant 0 : i32
    %dma_start3A_218 = tpu.memref_slice %arg7[%dma_start3A_216, %dma_start3A_217] : memref<8x64xi32, #tpu.memory_space<vmem>> -> memref<1x64xi32, #tpu.memory_space<vmem>>
    %dma_start3A_219 = tpu.memref_squeeze %dma_start3A_218 : memref<1x64xi32, #tpu.memory_space<vmem>> -> memref<64xi32, #tpu.memory_space<vmem>>
    %dma_start3A_220 = arith.constant 0 : i32
    %dma_start3A_221 = arith.constant 0 : i32
    %dma_start3A_222 = tpu.memref_slice %arg4[%dma_start3A_220, %dma_start3A_221] : memref<16384x1000xf32, #tpu.memory_space<hbm>> -> memref<16384x1000xf32, #tpu.memory_space<hbm>>
    tpu.enqueue_indirect_dma source(%dma_start3A_222 : memref<16384x1000xf32, #tpu.memory_space<hbm>>) target(%arg9 : memref<64x1000xf32, #tpu.memory_space<vmem>>) offsets(%dma_start3A_219 : memref<64xi32, #tpu.memory_space<vmem>>) semaphore(%arg12 : memref<!tpu.dma_semaphore, #tpu.memory_space<semaphore_mem>>)
    %dma_wait3A_223 = arith.constant 2 : i32
    %dma_wait3A_224 = arith.constant 0 : i32
    %dma_wait3A_225 = tpu.memref_slice %arg7[%dma_wait3A_223, %dma_wait3A_224] : memref<8x64xi32, #tpu.memory_space<vmem>> -> memref<1x64xi32, #tpu.memory_space<vmem>>
    %dma_wait3A_226 = tpu.memref_squeeze %dma_wait3A_225 : memref<1x64xi32, #tpu.memory_space<vmem>> -> memref<64xi32, #tpu.memory_space<vmem>>
    %dma_wait3A_227 = arith.constant 0 : i32
    %dma_wait3A_228 = arith.constant 0 : i32
    %dma_wait3A_229 = tpu.memref_slice %arg4[%dma_wait3A_227, %dma_wait3A_228] : memref<16384x1000xf32, #tpu.memory_space<hbm>> -> memref<16384x1000xf32, #tpu.memory_space<hbm>>
    tpu.wait_indirect_dma semaphore(%arg11 : memref<!tpu.dma_semaphore, #tpu.memory_space<semaphore_mem>>) src(%dma_wait3A_229 : memref<16384x1000xf32, #tpu.memory_space<hbm>>) dst(%arg8 : memref<64x1000xf32, #tpu.memory_space<vmem>>)
    %add3A_230 = arith.constant 128 : i32
    %add3A_231 = arith.addi %mul3A_2, %add3A_230 : i32
    %dma_start3A_232 = arith.constant 0 : i32
    %dma_start3A_233 = tpu.memref_slice %arg5[%add3A_231, %dma_start3A_232] : memref<16384x1000xf32, #tpu.memory_space<hbm>> -> memref<64x1000xf32, #tpu.memory_space<hbm>>
    %dma_start3A_234 = arith.constant 0 : i32
    %dma_start3A_235 = tpu.memref_slice %arg5[%add3A_231, %dma_start3A_234] : memref<16384x1000xf32, #tpu.memory_space<hbm>> -> memref<64x1000xf32, #tpu.memory_space<hbm>>
    tpu.enqueue_dma source(%arg8 : memref<64x1000xf32, #tpu.memory_space<vmem>>) target(%dma_start3A_235 : memref<64x1000xf32, #tpu.memory_space<hbm>>) target_semaphore(%arg13 : memref<!tpu.dma_semaphore, #tpu.memory_space<semaphore_mem>>)
    %dma_wait3A_236 = arith.constant 0 : i32
    %dma_wait3A_237 = tpu.memref_slice %arg5[%add3A_231, %dma_wait3A_236] : memref<16384x1000xf32, #tpu.memory_space<hbm>> -> memref<64x1000xf32, #tpu.memory_space<hbm>>
    %dma_wait3A_238 = arith.constant 0 : i32
    %dma_wait3A_239 = tpu.memref_slice %arg5[%add3A_231, %dma_wait3A_238] : memref<16384x1000xf32, #tpu.memory_space<hbm>> -> memref<64x1000xf32, #tpu.memory_space<hbm>>
    tpu.wait_dma2 semaphore(%arg13 : memref<!tpu.dma_semaphore, #tpu.memory_space<semaphore_mem>>) src(%arg8 : memref<64x1000xf32, #tpu.memory_space<vmem>>) dst(%dma_wait3A_239 : memref<64x1000xf32, #tpu.memory_space<hbm>>)
    %dma_start3A_240 = arith.constant 4 : i32
    %dma_start3A_241 = arith.constant 0 : i32
    %dma_start3A_242 = tpu.memref_slice %arg7[%dma_start3A_240, %dma_start3A_241] : memref<8x64xi32, #tpu.memory_space<vmem>> -> memref<1x64xi32, #tpu.memory_space<vmem>>
    %dma_start3A_243 = tpu.memref_squeeze %dma_start3A_242 : memref<1x64xi32, #tpu.memory_space<vmem>> -> memref<64xi32, #tpu.memory_space<vmem>>
    %dma_start3A_244 = arith.constant 0 : i32
    %dma_start3A_245 = arith.constant 0 : i32
    %dma_start3A_246 = tpu.memref_slice %arg4[%dma_start3A_244, %dma_start3A_245] : memref<16384x1000xf32, #tpu.memory_space<hbm>> -> memref<16384x1000xf32, #tpu.memory_space<hbm>>
    tpu.enqueue_indirect_dma source(%dma_start3A_246 : memref<16384x1000xf32, #tpu.memory_space<hbm>>) target(%arg8 : memref<64x1000xf32, #tpu.memory_space<vmem>>) offsets(%dma_start3A_243 : memref<64xi32, #tpu.memory_space<vmem>>) semaphore(%arg11 : memref<!tpu.dma_semaphore, #tpu.memory_space<semaphore_mem>>)
    %dma_wait3A_247 = arith.constant 3 : i32
    %dma_wait3A_248 = arith.constant 0 : i32
    %dma_wait3A_249 = tpu.memref_slice %arg7[%dma_wait3A_247, %dma_wait3A_248] : memref<8x64xi32, #tpu.memory_space<vmem>> -> memref<1x64xi32, #tpu.memory_space<vmem>>
    %dma_wait3A_250 = tpu.memref_squeeze %dma_wait3A_249 : memref<1x64xi32, #tpu.memory_space<vmem>> -> memref<64xi32, #tpu.memory_space<vmem>>
    %dma_wait3A_251 = arith.constant 0 : i32
    %dma_wait3A_252 = arith.constant 0 : i32
    %dma_wait3A_253 = tpu.memref_slice %arg4[%dma_wait3A_251, %dma_wait3A_252] : memref<16384x1000xf32, #tpu.memory_space<hbm>> -> memref<16384x1000xf32, #tpu.memory_space<hbm>>
    tpu.wait_indirect_dma semaphore(%arg12 : memref<!tpu.dma_semaphore, #tpu.memory_space<semaphore_mem>>) src(%dma_wait3A_253 : memref<16384x1000xf32, #tpu.memory_space<hbm>>) dst(%arg9 : memref<64x1000xf32, #tpu.memory_space<vmem>>)
    %add3A_254 = arith.constant 192 : i32
    %add3A_255 = arith.addi %mul3A_2, %add3A_254 : i32
    %dma_start3A_256 = arith.constant 0 : i32
    %dma_start3A_257 = tpu.memref_slice %arg5[%add3A_255, %dma_start3A_256] : memref<16384x1000xf32, #tpu.memory_space<hbm>> -> memref<64x1000xf32, #tpu.memory_space<hbm>>
    %dma_start3A_258 = arith.constant 0 : i32
    %dma_start3A_259 = tpu.memref_slice %arg5[%add3A_255, %dma_start3A_258] : memref<16384x1000xf32, #tpu.memory_space<hbm>> -> memref<64x1000xf32, #tpu.memory_space<hbm>>
    tpu.enqueue_dma source(%arg9 : memref<64x1000xf32, #tpu.memory_space<vmem>>) target(%dma_start3A_259 : memref<64x1000xf32, #tpu.memory_space<hbm>>) target_semaphore(%arg14 : memref<!tpu.dma_semaphore, #tpu.memory_space<semaphore_mem>>)
    %dma_wait3A_260 = arith.constant 0 : i32
    %dma_wait3A_261 = tpu.memref_slice %arg5[%add3A_255, %dma_wait3A_260] : memref<16384x1000xf32, #tpu.memory_space<hbm>> -> memref<64x1000xf32, #tpu.memory_space<hbm>>
    %dma_wait3A_262 = arith.constant 0 : i32
    %dma_wait3A_263 = tpu.memref_slice %arg5[%add3A_255, %dma_wait3A_262] : memref<16384x1000xf32, #tpu.memory_space<hbm>> -> memref<64x1000xf32, #tpu.memory_space<hbm>>
    tpu.wait_dma2 semaphore(%arg14 : memref<!tpu.dma_semaphore, #tpu.memory_space<semaphore_mem>>) src(%arg9 : memref<64x1000xf32, #tpu.memory_space<vmem>>) dst(%dma_wait3A_263 : memref<64x1000xf32, #tpu.memory_space<hbm>>)
    %dma_start3A_264 = arith.constant 5 : i32
    %dma_start3A_265 = arith.constant 0 : i32
    %dma_start3A_266 = tpu.memref_slice %arg7[%dma_start3A_264, %dma_start3A_265] : memref<8x64xi32, #tpu.memory_space<vmem>> -> memref<1x64xi32, #tpu.memory_space<vmem>>
    %dma_start3A_267 = tpu.memref_squeeze %dma_start3A_266 : memref<1x64xi32, #tpu.memory_space<vmem>> -> memref<64xi32, #tpu.memory_space<vmem>>
    %dma_start3A_268 = arith.constant 0 : i32
    %dma_start3A_269 = arith.constant 0 : i32
    %dma_start3A_270 = tpu.memref_slice %arg4[%dma_start3A_268, %dma_start3A_269] : memref<16384x1000xf32, #tpu.memory_space<hbm>> -> memref<16384x1000xf32, #tpu.memory_space<hbm>>
    tpu.enqueue_indirect_dma source(%dma_start3A_270 : memref<16384x1000xf32, #tpu.memory_space<hbm>>) target(%arg9 : memref<64x1000xf32, #tpu.memory_space<vmem>>) offsets(%dma_start3A_267 : memref<64xi32, #tpu.memory_space<vmem>>) semaphore(%arg12 : memref<!tpu.dma_semaphore, #tpu.memory_space<semaphore_mem>>)
    %dma_wait3A_271 = arith.constant 4 : i32
    %dma_wait3A_272 = arith.constant 0 : i32
    %dma_wait3A_273 = tpu.memref_slice %arg7[%dma_wait3A_271, %dma_wait3A_272] : memref<8x64xi32, #tpu.memory_space<vmem>> -> memref<1x64xi32, #tpu.memory_space<vmem>>
    %dma_wait3A_274 = tpu.memref_squeeze %dma_wait3A_273 : memref<1x64xi32, #tpu.memory_space<vmem>> -> memref<64xi32, #tpu.memory_space<vmem>>
    %dma_wait3A_275 = arith.constant 0 : i32
    %dma_wait3A_276 = arith.constant 0 : i32
    %dma_wait3A_277 = tpu.memref_slice %arg4[%dma_wait3A_275, %dma_wait3A_276] : memref<16384x1000xf32, #tpu.memory_space<hbm>> -> memref<16384x1000xf32, #tpu.memory_space<hbm>>
    tpu.wait_indirect_dma semaphore(%arg11 : memref<!tpu.dma_semaphore, #tpu.memory_space<semaphore_mem>>) src(%dma_wait3A_277 : memref<16384x1000xf32, #tpu.memory_space<hbm>>) dst(%arg8 : memref<64x1000xf32, #tpu.memory_space<vmem>>)
    %add3A_278 = arith.constant 256 : i32
    %add3A_279 = arith.addi %mul3A_2, %add3A_278 : i32
    %dma_start3A_280 = arith.constant 0 : i32
    %dma_start3A_281 = tpu.memref_slice %arg5[%add3A_279, %dma_start3A_280] : memref<16384x1000xf32, #tpu.memory_space<hbm>> -> memref<64x1000xf32, #tpu.memory_space<hbm>>
    %dma_start3A_282 = arith.constant 0 : i32
    %dma_start3A_283 = tpu.memref_slice %arg5[%add3A_279, %dma_start3A_282] : memref<16384x1000xf32, #tpu.memory_space<hbm>> -> memref<64x1000xf32, #tpu.memory_space<hbm>>
    tpu.enqueue_dma source(%arg8 : memref<64x1000xf32, #tpu.memory_space<vmem>>) target(%dma_start3A_283 : memref<64x1000xf32, #tpu.memory_space<hbm>>) target_semaphore(%arg13 : memref<!tpu.dma_semaphore, #tpu.memory_space<semaphore_mem>>)
    %dma_wait3A_284 = arith.constant 0 : i32
    %dma_wait3A_285 = tpu.memref_slice %arg5[%add3A_279, %dma_wait3A_284] : memref<16384x1000xf32, #tpu.memory_space<hbm>> -> memref<64x1000xf32, #tpu.memory_space<hbm>>
    %dma_wait3A_286 = arith.constant 0 : i32
    %dma_wait3A_287 = tpu.memref_slice %arg5[%add3A_279, %dma_wait3A_286] : memref<16384x1000xf32, #tpu.memory_space<hbm>> -> memref<64x1000xf32, #tpu.memory_space<hbm>>
    tpu.wait_dma2 semaphore(%arg13 : memref<!tpu.dma_semaphore, #tpu.memory_space<semaphore_mem>>) src(%arg8 : memref<64x1000xf32, #tpu.memory_space<vmem>>) dst(%dma_wait3A_287 : memref<64x1000xf32, #tpu.memory_space<hbm>>)
    %dma_start3A_288 = arith.constant 6 : i32
    %dma_start3A_289 = arith.constant 0 : i32
    %dma_start3A_290 = tpu.memref_slice %arg7[%dma_start3A_288, %dma_start3A_289] : memref<8x64xi32, #tpu.memory_space<vmem>> -> memref<1x64xi32, #tpu.memory_space<vmem>>
    %dma_start3A_291 = tpu.memref_squeeze %dma_start3A_290 : memref<1x64xi32, #tpu.memory_space<vmem>> -> memref<64xi32, #tpu.memory_space<vmem>>
    %dma_start3A_292 = arith.constant 0 : i32
    %dma_start3A_293 = arith.constant 0 : i32
    %dma_start3A_294 = tpu.memref_slice %arg4[%dma_start3A_292, %dma_start3A_293] : memref<16384x1000xf32, #tpu.memory_space<hbm>> -> memref<16384x1000xf32, #tpu.memory_space<hbm>>
    tpu.enqueue_indirect_dma source(%dma_start3A_294 : memref<16384x1000xf32, #tpu.memory_space<hbm>>) target(%arg8 : memref<64x1000xf32, #tpu.memory_space<vmem>>) offsets(%dma_start3A_291 : memref<64xi32, #tpu.memory_space<vmem>>) semaphore(%arg11 : memref<!tpu.dma_semaphore, #tpu.memory_space<semaphore_mem>>)
    %dma_wait3A_295 = arith.constant 5 : i32
    %dma_wait3A_296 = arith.constant 0 : i32
    %dma_wait3A_297 = tpu.memref_slice %arg7[%dma_wait3A_295, %dma_wait3A_296] : memref<8x64xi32, #tpu.memory_space<vmem>> -> memref<1x64xi32, #tpu.memory_space<vmem>>
    %dma_wait3A_298 = tpu.memref_squeeze %dma_wait3A_297 : memref<1x64xi32, #tpu.memory_space<vmem>> -> memref<64xi32, #tpu.memory_space<vmem>>
    %dma_wait3A_299 = arith.constant 0 : i32
    %dma_wait3A_300 = arith.constant 0 : i32
    %dma_wait3A_301 = tpu.memref_slice %arg4[%dma_wait3A_299, %dma_wait3A_300] : memref<16384x1000xf32, #tpu.memory_space<hbm>> -> memref<16384x1000xf32, #tpu.memory_space<hbm>>
    tpu.wait_indirect_dma semaphore(%arg12 : memref<!tpu.dma_semaphore, #tpu.memory_space<semaphore_mem>>) src(%dma_wait3A_301 : memref<16384x1000xf32, #tpu.memory_space<hbm>>) dst(%arg9 : memref<64x1000xf32, #tpu.memory_space<vmem>>)
    %add3A_302 = arith.constant 320 : i32
    %add3A_303 = arith.addi %mul3A_2, %add3A_302 : i32
    %dma_start3A_304 = arith.constant 0 : i32
    %dma_start3A_305 = tpu.memref_slice %arg5[%add3A_303, %dma_start3A_304] : memref<16384x1000xf32, #tpu.memory_space<hbm>> -> memref<64x1000xf32, #tpu.memory_space<hbm>>
    %dma_start3A_306 = arith.constant 0 : i32
    %dma_start3A_307 = tpu.memref_slice %arg5[%add3A_303, %dma_start3A_306] : memref<16384x1000xf32, #tpu.memory_space<hbm>> -> memref<64x1000xf32, #tpu.memory_space<hbm>>
    tpu.enqueue_dma source(%arg9 : memref<64x1000xf32, #tpu.memory_space<vmem>>) target(%dma_start3A_307 : memref<64x1000xf32, #tpu.memory_space<hbm>>) target_semaphore(%arg14 : memref<!tpu.dma_semaphore, #tpu.memory_space<semaphore_mem>>)
    %dma_wait3A_308 = arith.constant 0 : i32
    %dma_wait3A_309 = tpu.memref_slice %arg5[%add3A_303, %dma_wait3A_308] : memref<16384x1000xf32, #tpu.memory_space<hbm>> -> memref<64x1000xf32, #tpu.memory_space<hbm>>
    %dma_wait3A_310 = arith.constant 0 : i32
    %dma_wait3A_311 = tpu.memref_slice %arg5[%add3A_303, %dma_wait3A_310] : memref<16384x1000xf32, #tpu.memory_space<hbm>> -> memref<64x1000xf32, #tpu.memory_space<hbm>>
    tpu.wait_dma2 semaphore(%arg14 : memref<!tpu.dma_semaphore, #tpu.memory_space<semaphore_mem>>) src(%arg9 : memref<64x1000xf32, #tpu.memory_space<vmem>>) dst(%dma_wait3A_311 : memref<64x1000xf32, #tpu.memory_space<hbm>>)
    %dma_start3A_312 = arith.constant 7 : i32
    %dma_start3A_313 = arith.constant 0 : i32
    %dma_start3A_314 = tpu.memref_slice %arg7[%dma_start3A_312, %dma_start3A_313] : memref<8x64xi32, #tpu.memory_space<vmem>> -> memref<1x64xi32, #tpu.memory_space<vmem>>
    %dma_start3A_315 = tpu.memref_squeeze %dma_start3A_314 : memref<1x64xi32, #tpu.memory_space<vmem>> -> memref<64xi32, #tpu.memory_space<vmem>>
    %dma_start3A_316 = arith.constant 0 : i32
    %dma_start3A_317 = arith.constant 0 : i32
    %dma_start3A_318 = tpu.memref_slice %arg4[%dma_start3A_316, %dma_start3A_317] : memref<16384x1000xf32, #tpu.memory_space<hbm>> -> memref<16384x1000xf32, #tpu.memory_space<hbm>>
    tpu.enqueue_indirect_dma source(%dma_start3A_318 : memref<16384x1000xf32, #tpu.memory_space<hbm>>) target(%arg9 : memref<64x1000xf32, #tpu.memory_space<vmem>>) offsets(%dma_start3A_315 : memref<64xi32, #tpu.memory_space<vmem>>) semaphore(%arg12 : memref<!tpu.dma_semaphore, #tpu.memory_space<semaphore_mem>>)
    %dma_wait3A_319 = arith.constant 6 : i32
    %dma_wait3A_320 = arith.constant 0 : i32
    %dma_wait3A_321 = tpu.memref_slice %arg7[%dma_wait3A_319, %dma_wait3A_320] : memref<8x64xi32, #tpu.memory_space<vmem>> -> memref<1x64xi32, #tpu.memory_space<vmem>>
    %dma_wait3A_322 = tpu.memref_squeeze %dma_wait3A_321 : memref<1x64xi32, #tpu.memory_space<vmem>> -> memref<64xi32, #tpu.memory_space<vmem>>
    %dma_wait3A_323 = arith.constant 0 : i32
    %dma_wait3A_324 = arith.constant 0 : i32
    %dma_wait3A_325 = tpu.memref_slice %arg4[%dma_wait3A_323, %dma_wait3A_324] : memref<16384x1000xf32, #tpu.memory_space<hbm>> -> memref<16384x1000xf32, #tpu.memory_space<hbm>>
    tpu.wait_indirect_dma semaphore(%arg11 : memref<!tpu.dma_semaphore, #tpu.memory_space<semaphore_mem>>) src(%dma_wait3A_325 : memref<16384x1000xf32, #tpu.memory_space<hbm>>) dst(%arg8 : memref<64x1000xf32, #tpu.memory_space<vmem>>)
    %add3A_326 = arith.constant 384 : i32
    %add3A_327 = arith.addi %mul3A_2, %add3A_326 : i32
    %dma_start3A_328 = arith.constant 0 : i32
    %dma_start3A_329 = tpu.memref_slice %arg5[%add3A_327, %dma_start3A_328] : memref<16384x1000xf32, #tpu.memory_space<hbm>> -> memref<64x1000xf32, #tpu.memory_space<hbm>>
    %dma_start3A_330 = arith.constant 0 : i32
    %dma_start3A_331 = tpu.memref_slice %arg5[%add3A_327, %dma_start3A_330] : memref<16384x1000xf32, #tpu.memory_space<hbm>> -> memref<64x1000xf32, #tpu.memory_space<hbm>>
    tpu.enqueue_dma source(%arg8 : memref<64x1000xf32, #tpu.memory_space<vmem>>) target(%dma_start3A_331 : memref<64x1000xf32, #tpu.memory_space<hbm>>) target_semaphore(%arg13 : memref<!tpu.dma_semaphore, #tpu.memory_space<semaphore_mem>>)
    %dma_wait3A_332 = arith.constant 7 : i32
    %dma_wait3A_333 = arith.constant 0 : i32
    %dma_wait3A_334 = tpu.memref_slice %arg7[%dma_wait3A_332, %dma_wait3A_333] : memref<8x64xi32, #tpu.memory_space<vmem>> -> memref<1x64xi32, #tpu.memory_space<vmem>>
    %dma_wait3A_335 = tpu.memref_squeeze %dma_wait3A_334 : memref<1x64xi32, #tpu.memory_space<vmem>> -> memref<64xi32, #tpu.memory_space<vmem>>
    %dma_wait3A_336 = arith.constant 0 : i32
    %dma_wait3A_337 = arith.constant 0 : i32
    %dma_wait3A_338 = tpu.memref_slice %arg4[%dma_wait3A_336, %dma_wait3A_337] : memref<16384x1000xf32, #tpu.memory_space<hbm>> -> memref<16384x1000xf32, #tpu.memory_space<hbm>>
    tpu.wait_indirect_dma semaphore(%arg12 : memref<!tpu.dma_semaphore, #tpu.memory_space<semaphore_mem>>) src(%dma_wait3A_338 : memref<16384x1000xf32, #tpu.memory_space<hbm>>) dst(%arg9 : memref<64x1000xf32, #tpu.memory_space<vmem>>)
    %add3A_339 = arith.constant 448 : i32
    %add3A_340 = arith.addi %mul3A_2, %add3A_339 : i32
    %dma_start3A_341 = arith.constant 0 : i32
    %dma_start3A_342 = tpu.memref_slice %arg5[%add3A_340, %dma_start3A_341] : memref<16384x1000xf32, #tpu.memory_space<hbm>> -> memref<64x1000xf32, #tpu.memory_space<hbm>>
    %dma_start3A_343 = arith.constant 0 : i32
    %dma_start3A_344 = tpu.memref_slice %arg5[%add3A_340, %dma_start3A_343] : memref<16384x1000xf32, #tpu.memory_space<hbm>> -> memref<64x1000xf32, #tpu.memory_space<hbm>>
    tpu.enqueue_dma source(%arg9 : memref<64x1000xf32, #tpu.memory_space<vmem>>) target(%dma_start3A_344 : memref<64x1000xf32, #tpu.memory_space<hbm>>) target_semaphore(%arg14 : memref<!tpu.dma_semaphore, #tpu.memory_space<semaphore_mem>>)
    %dma_wait3A_345 = arith.constant 0 : i32
    %dma_wait3A_346 = tpu.memref_slice %arg5[%add3A_327, %dma_wait3A_345] : memref<16384x1000xf32, #tpu.memory_space<hbm>> -> memref<64x1000xf32, #tpu.memory_space<hbm>>
    %dma_wait3A_347 = arith.constant 0 : i32
    %dma_wait3A_348 = tpu.memref_slice %arg5[%add3A_327, %dma_wait3A_347] : memref<16384x1000xf32, #tpu.memory_space<hbm>> -> memref<64x1000xf32, #tpu.memory_space<hbm>>
    tpu.wait_dma2 semaphore(%arg13 : memref<!tpu.dma_semaphore, #tpu.memory_space<semaphore_mem>>) src(%arg8 : memref<64x1000xf32, #tpu.memory_space<vmem>>) dst(%dma_wait3A_348 : memref<64x1000xf32, #tpu.memory_space<hbm>>)
    %dma_wait3A_349 = arith.constant 0 : i32
    %dma_wait3A_350 = tpu.memref_slice %arg5[%add3A_340, %dma_wait3A_349] : memref<16384x1000xf32, #tpu.memory_space<hbm>> -> memref<64x1000xf32, #tpu.memory_space<hbm>>
    %dma_wait3A_351 = arith.constant 0 : i32
    %dma_wait3A_352 = tpu.memref_slice %arg5[%add3A_340, %dma_wait3A_351] : memref<16384x1000xf32, #tpu.memory_space<hbm>> -> memref<64x1000xf32, #tpu.memory_space<hbm>>
    tpu.wait_dma2 semaphore(%arg14 : memref<!tpu.dma_semaphore, #tpu.memory_space<semaphore_mem>>) src(%arg9 : memref<64x1000xf32, #tpu.memory_space<vmem>>) dst(%dma_wait3A_352 : memref<64x1000xf32, #tpu.memory_space<hbm>>)
    return
  }
}

module attributes {stable_mosaic.version = 14 : i64} {
  func.func @_loss_body(%arg0: i32, %arg1: memref<512x1000xf32, #tpu.memory_space<vmem>>, %arg2: memref<512x1000xf32, #tpu.memory_space<vmem>>, %arg3: memref<512x1000xf32, #tpu.memory_space<vmem>>, %arg4: memref<1x1xf32, #tpu.memory_space<smem>>, %arg5: memref<2xf32, #tpu.memory_space<smem>>) attributes {dimension_semantics = [#tpu.dimension_semantics<arbitrary>], iteration_bounds = array<i64: 32>, scalar_prefetch = 0 : i64, scratch_operands = 1 : i64, tpu.core_type = #tpu.core_type<tc>, window_params = [{transform_indices = @transform_0, window_bounds = array<i64: 512, 1000>}, {transform_indices = @transform_1, window_bounds = array<i64: 512, 1000>}, {transform_indices = @transform_2, window_bounds = array<i64: 512, 1000>}, {transform_indices = @transform_3, window_bounds = array<i64: 1, 1>}]} {
    %get3A = arith.constant 0 : index
    %get3A_0 = arith.constant 0 : index
    %get3A_1 = vector.load %arg1[%get3A, %get3A_0] : memref<512x1000xf32, #tpu.memory_space<vmem>>, vector<512x1000xf32>
    %get3A_2 = arith.constant 0 : index
    %get3A_3 = arith.constant 0 : index
    %get3A_4 = vector.load %arg2[%get3A_2, %get3A_3] : memref<512x1000xf32, #tpu.memory_space<vmem>>, vector<512x1000xf32>
    %get3A_5 = arith.constant 0 : index
    %get3A_6 = arith.constant 0 : index
    %get3A_7 = vector.load %arg3[%get3A_5, %get3A_6] : memref<512x1000xf32, #tpu.memory_space<vmem>>, vector<512x1000xf32>
    %neg3A = arith.constant 0.000000e+00 : f32
    %neg3A_8 = vector.broadcast %neg3A : f32 to vector<512x1000xf32>
    %neg3A_9 = arith.subf %neg3A_8, %get3A_1 : vector<512x1000xf32>
    %exp3A = math.exp %neg3A_9 : vector<512x1000xf32>
    %log1p3A = math.log1p %exp3A : vector<512x1000xf32>
    %sub3A = arith.constant 1.000000e+00 : f32
    %sub3A_10 = vector.broadcast %sub3A : f32 to vector<512x1000xf32>
    %sub3A_11 = arith.subf %sub3A_10, %get3A_4 : vector<512x1000xf32>
    %mul3A = arith.mulf %sub3A_11, %get3A_1 : vector<512x1000xf32>
    %add3A = arith.addf %log1p3A, %mul3A : vector<512x1000xf32>
    %reduce_sum3A = vector.shape_cast %add3A : vector<512x1000xf32> to vector<1x512x1000xf32>
    %reduce_sum3A_12 = arith.constant dense<0.000000e+00> : vector<1xf32>
    %reduce_sum3A_13 = vector.multi_reduction <add>, %reduce_sum3A, %reduce_sum3A_12 [1, 2] : vector<1x512x1000xf32> to vector<1xf32>
    %reduce_sum3A_14 = vector.shape_cast %reduce_sum3A_13 : vector<1xf32> to vector<1x1x1xf32>
    %reduce_sum3A_15 = vector.extract %reduce_sum3A_14[0, 0, 0] : f32 from vector<1x1x1xf32>
    %add3A_16 = arith.constant 1.000000e+00 : f32
    %add3A_17 = vector.broadcast %add3A_16 : f32 to vector<512x1000xf32>
    %add3A_18 = arith.addf %add3A_17, %exp3A : vector<512x1000xf32>
    %div3A = arith.constant 1.000000e+00 : f32
    %div3A_19 = vector.broadcast %div3A : f32 to vector<512x1000xf32>
    %div3A_20 = arith.divf %div3A_19, %add3A_18 : vector<512x1000xf32>
    %jit3A = arith.constant 9.99999974E-5 : f32
    %jit3A_21 = arith.constant 0.999899983 : f32
    %max3A = vector.broadcast %jit3A : f32 to vector<512x1000xf32>
    %max3A_22 = arith.maximumf %max3A, %div3A_20 : vector<512x1000xf32>
    %min3A = vector.broadcast %jit3A_21 : f32 to vector<512x1000xf32>
    %min3A_23 = arith.minimumf %min3A, %max3A_22 : vector<512x1000xf32>
    %neg3A_24 = arith.constant 0.000000e+00 : f32
    %neg3A_25 = vector.broadcast %neg3A_24 : f32 to vector<512x1000xf32>
    %neg3A_26 = arith.subf %neg3A_25, %get3A_7 : vector<512x1000xf32>
    %exp3A_27 = math.exp %neg3A_26 : vector<512x1000xf32>
    %add3A_28 = arith.constant 1.000000e+00 : f32
    %add3A_29 = vector.broadcast %add3A_28 : f32 to vector<512x1000xf32>
    %add3A_30 = arith.addf %add3A_29, %exp3A_27 : vector<512x1000xf32>
    %div3A_31 = arith.constant 1.000000e+00 : f32
    %div3A_32 = vector.broadcast %div3A_31 : f32 to vector<512x1000xf32>
    %div3A_33 = arith.divf %div3A_32, %add3A_30 : vector<512x1000xf32>
    %jit3A_34 = arith.constant 9.99999974E-5 : f32
    %jit3A_35 = arith.constant 0.999899983 : f32
    %max3A_36 = vector.broadcast %jit3A_34 : f32 to vector<512x1000xf32>
    %max3A_37 = arith.maximumf %max3A_36, %div3A_33 : vector<512x1000xf32>
    %min3A_38 = vector.broadcast %jit3A_35 : f32 to vector<512x1000xf32>
    %min3A_39 = arith.minimumf %min3A_38, %max3A_37 : vector<512x1000xf32>
    %reduce_sum3A_40 = arith.constant dense<0.000000e+00> : vector<512xf32>
    %reduce_sum3A_41 = vector.multi_reduction <add>, %min3A_39, %reduce_sum3A_40 [1] : vector<512x1000xf32> to vector<512xf32>
    %mul3A_42 = arith.mulf %min3A_39, %min3A_23 : vector<512x1000xf32>
    %reduce_sum3A_43 = arith.constant dense<0.000000e+00> : vector<512xf32>
    %reduce_sum3A_44 = vector.multi_reduction <add>, %mul3A_42, %reduce_sum3A_43 [1] : vector<512x1000xf32> to vector<512xf32>
    %mul3A_45 = arith.constant 3.000000e-01 : f32
    %mul3A_46 = vector.broadcast %mul3A_45 : f32 to vector<512xf32>
    %mul3A_47 = arith.mulf %mul3A_46, %reduce_sum3A_44 : vector<512xf32>
    %div3A_48 = arith.divf %mul3A_47, %reduce_sum3A_41 : vector<512xf32>
    %sub3A_49 = arith.constant 1.000000e+03 : f32
    %sub3A_50 = vector.broadcast %sub3A_49 : f32 to vector<512xf32>
    %sub3A_51 = arith.subf %sub3A_50, %div3A_48 : vector<512xf32>
    %log3A = math.log %sub3A_51 : vector<512xf32>
    %reduce_sum3A_52 = vector.shape_cast %log3A : vector<512xf32> to vector<1x512xf32>
    %reduce_sum3A_53 = arith.constant dense<0.000000e+00> : vector<1xf32>
    %reduce_sum3A_54 = vector.multi_reduction <add>, %reduce_sum3A_52, %reduce_sum3A_53 [1] : vector<1x512xf32> to vector<1xf32>
    %reduce_sum3A_55 = vector.shape_cast %reduce_sum3A_54 : vector<1xf32> to vector<1x1xf32>
    %reduce_sum3A_56 = vector.extract %reduce_sum3A_55[0, 0] : f32 from vector<1x1xf32>
    %eq3A = arith.constant 0 : i32
    %eq3A_57 = arith.cmpi eq, %arg0, %eq3A : i32
    %convert_element_type3A = arith.extui %eq3A_57 : i1 to i32
    %cond3A = arith.constant 0 : i32
    %cond3A_58 = arith.cmpi ne, %convert_element_type3A, %cond3A : i32
    scf.if %cond3A_58 {
      %swap3A_73 = arith.constant 0.000000e+00 : f32
      %swap3A_74 = arith.constant 0 : index
      %swap3A_75 = memref.load %arg5[%swap3A_74] : memref<2xf32, #tpu.memory_space<smem>>
      memref.store %swap3A_73, %arg5[%swap3A_74] : memref<2xf32, #tpu.memory_space<smem>>
      %swap3A_76 = arith.constant 0.000000e+00 : f32
      %swap3A_77 = arith.constant 1 : index
      %swap3A_78 = memref.load %arg5[%swap3A_77] : memref<2xf32, #tpu.memory_space<smem>>
      memref.store %swap3A_76, %arg5[%swap3A_77] : memref<2xf32, #tpu.memory_space<smem>>
    } else {
    }
    %get3A_59 = arith.constant 0 : index
    %get3A_60 = memref.load %arg5[%get3A_59] : memref<2xf32, #tpu.memory_space<smem>>
    %add3A_61 = arith.addf %get3A_60, %reduce_sum3A_15 : f32
    %swap3A = arith.constant 0 : index
    %swap3A_62 = memref.load %arg5[%swap3A] : memref<2xf32, #tpu.memory_space<smem>>
    memref.store %add3A_61, %arg5[%swap3A] : memref<2xf32, #tpu.memory_space<smem>>
    %get3A_63 = arith.constant 1 : index
    %get3A_64 = memref.load %arg5[%get3A_63] : memref<2xf32, #tpu.memory_space<smem>>
    %add3A_65 = arith.addf %get3A_64, %reduce_sum3A_56 : f32
    %swap3A_66 = arith.constant 1 : index
    %swap3A_67 = memref.load %arg5[%swap3A_66] : memref<2xf32, #tpu.memory_space<smem>>
    memref.store %add3A_65, %arg5[%swap3A_66] : memref<2xf32, #tpu.memory_space<smem>>
    %eq3A_68 = arith.constant 31 : i32
    %eq3A_69 = arith.cmpi eq, %arg0, %eq3A_68 : i32
    %convert_element_type3A_70 = arith.extui %eq3A_69 : i1 to i32
    %cond3A_71 = arith.constant 0 : i32
    %cond3A_72 = arith.cmpi ne, %convert_element_type3A_70, %cond3A_71 : i32
    scf.if %cond3A_72 {
      %get3A_73 = arith.constant 0 : index
      %get3A_74 = memref.load %arg5[%get3A_73] : memref<2xf32, #tpu.memory_space<smem>>
      %div3A_75 = arith.constant 1.638400e+07 : f32
      %div3A_76 = arith.divf %get3A_74, %div3A_75 : f32
      %get3A_77 = arith.constant 1 : index
      %get3A_78 = memref.load %arg5[%get3A_77] : memref<2xf32, #tpu.memory_space<smem>>
      %div3A_79 = arith.constant 1.638400e+04 : f32
      %div3A_80 = arith.divf %get3A_78, %div3A_79 : f32
      %mul3A_81 = arith.constant 3.000000e+00 : f32
      %mul3A_82 = arith.mulf %mul3A_81, %div3A_80 : f32
      %add3A_83 = arith.addf %div3A_76, %mul3A_82 : f32
      %swap3A_84 = arith.constant 0 : index
      %swap3A_85 = arith.constant 0 : index
      %swap3A_86 = memref.load %arg4[%swap3A_84, %swap3A_85] : memref<1x1xf32, #tpu.memory_space<smem>>
      memref.store %add3A_83, %arg4[%swap3A_84, %swap3A_85] : memref<1x1xf32, #tpu.memory_space<smem>>
    } else {
    }
    return
  }
  func.func @transform_0(%arg0: i32) -> (i32, i32) {
    %c0_i32 = arith.constant 0 : i32
    %c0_i32_0 = arith.constant 0 : i32
    return %arg0, %c0_i32 : i32, i32
  }
  func.func @transform_1(%arg0: i32) -> (i32, i32) {
    %c0_i32 = arith.constant 0 : i32
    %c0_i32_0 = arith.constant 0 : i32
    return %arg0, %c0_i32 : i32, i32
  }
  func.func @transform_2(%arg0: i32) -> (i32, i32) {
    %c0_i32 = arith.constant 0 : i32
    %c0_i32_0 = arith.constant 0 : i32
    return %arg0, %c0_i32 : i32, i32
  }
  func.func @transform_3(%arg0: i32) -> (i32, i32) {
    %c0_i32 = arith.constant 0 : i32
    %c0_i32_0 = arith.constant 0 : i32
    %c0_i32_1 = arith.constant 0 : i32
    return %c0_i32, %c0_i32_0 : i32, i32
  }
}

</mosaic_0001>

<sc_bundles>
// kernel: kernel.5.cloned.1.call-start
scs
__scs_entry_jumppad:
0x0: {  	(pc) =	sbr.rel $0x88, $3  }
0x1: {  	(tag) =	ssettag $0x0;
	lr =	simm.s32 $0x1  }
0x2: {  	[smem:$0x3F9E] =	sst lr;
	_ =	strace $0xD0000000  }
0x3: {  	_ = 	snop  }
0x4: {  	_ = 	snop  }
0x5: {  	_ = 	snop  }
0x6: {  	_ = 	snop  }
0x7: {  	_ = 	snop  }
__scs_overlays_trampoline_lowered:
0x8: {  	[smem:$0x3FAD] =	sst s0  }
0x9: {  	[smem:$0x3FAE] =	sst s1  }
0xa: {  	[smem:$0x3FAF] =	sst s2  }
0xb: {  	[smem:$0x3FB0] =	sst s3  }
0xc: {  	[smem:$0x3FB1] =	sst s4  }
0xd: {  	[smem:$0x3FB2] =	sst s5  }
0xe: {  	[smem:$0x3FB3] =	sst s6  }
0xf: {  	[smem:$0x3FB4] =	sst s7  }
0x10: {  	[smem:$0x3FB5] =	sst s8  }
0x11: {  	[smem:$0x3FB6] =	sst s9;
	s0 =	simm.s32 @!p0 $0x0  }
0x12: {  	s1 =	sld [smem:$0x3F9C];
	s0 =	simm.s32 @p0 $0x1  }
0x13: {  	[smem:$0x3FB7] =	sst s0;
	s0 =	simm.s32 @!p1 $0x0  }
0x14: {  	s2 =	sld [smem:$0x3F9B];
	s0 =	simm.s32 @p1 $0x1  }
0x15: {  	[smem:$0x3FB8] =	sst s0;
	s0 =	simm.s32 @!p2 $0x0  }
0x16: {  	s3 =	sld [smem:$0x3FDB];
	s0 =	simm.s32 @p2 $0x1  }
0x17: {  	s4 =	simm.s32 $0x1BF5;
	[smem:$0x3FBA] =	sst s0  }
0x18: {  	s0 =	sld [smem:$0x3F9D];
	_ =	swait.ge [sflag:s4], $0x0  }
0x19: {  	s7 =	sld [smem:$0x3F9E]  }
0x1a: {  	s8 =	sadd.s32 $0xFFFFE003, lr  }
0x1b: {  	s9 =	sadd.s32 $0xFFFFFEF7, lr;
	s5 =	simm.s32 $0xFFFFFFFF;
	p2 =	slt.u32 s8, $0xFFFFF086  }
0x1c: {  	p1 =	slt.u32 s9, $0xF7A;
	s5 =	simm.s32 @!p2 $0x0  }
0x1d: {  	s5 =	simm.s32 @p1 $0x1;
	p0 =	seq.s32 s7, s2  }
0x1e: {  	s7 =	smul.u32 @!p0 $0xF7A, s2;
	p2 =	seq.s32 @!p0 s5, $0x0  }
0x1f: {  	s9 =	smul.u32 $0xF7A, s1;
	s8 =	simm.s32 @!p0 $0x1BF5;
	p2 =	por !p2, p0  }
0x20: {  	[sflag:s8] =	ssyncset.s32 @!p0 $0xFFFFF086;
	s6 =	sadd.s32 @!p0 s3, s7;
	s7 =	simm.s32 @!p0 $0x108  }
0x21: {  	s3 =	sadd.s32 s3, s9;
	s6 =	sadd.s32 @!p0 $0x88, s6;
	s7 =	simm.s32 @p2 $0x1082  }
0x22: {  	[simem:s7], [sflag:s8] =	dma.local @!p0 [hbm:s6], $0xF7A  }
0x23: {  	s9 =	sor.u32 $0xD0000000, s2;
	s6 =	simm.s32 $0x108;
	_ =	swait.ge @!p0 [sflag:s8], $0x0  }
0x24: {  	s3 =	sadd.s32 $0x88, s3;
	s6 =	simm.s32 @!p1 $0x1082;
	[sflag:s4] =	ssyncset.s32 $0xFFFFF086  }
0x25: {  	[simem:s6], [sflag:s4] =	dma.local [hbm:s3], $0xF7A  }
0x26: {  	[smem:$0x3F9E] =	sst s1;
	(tag) =	ssettag s2;
	_ =	strace s9  }
0x27: {  	s1 =	sld [smem:$0x3FAE]  }
0x28: {  	s2 =	sld [smem:$0x3FAF]  }
0x29: {  	s4 =	sld [smem:$0x3FB1]  }
0x2a: {  	p0 =	seq.s32 s5, $0x0;
	s5 =	sld [smem:$0x3FB2]  }
0x2b: {  	s6 =	sld [smem:$0x3FB3]  }
0x2c: {  	s7 =	sld [smem:$0x3FB4]  }
0x2d: {  	s3 =	simm.s32 $0x108;
	s8 =	sld [smem:$0x3FB5]  }
0x2e: {  	s3 =	simm.s32 @!p0 $0x1082;
	s9 =	sld [smem:$0x3FB6]  }
0x2f: {  	lr =	sadd.s32 s0, s3;
	s0 =	sld [smem:$0x3FAD]  }
0x30: {  	s3 =	sld [smem:$0x3FB0]  }
0x31: {  	[smem:$0x3FB9] =	sst s10  }
0x32: {  	s10 =	sld [smem:$0x3FB7];
	_ =	sdelay $0x3  }
0x33: {  	p0 =	seq.s32 s10, $0x1;
	s10 =	sld [smem:$0x3FB9];
	_ =	sdelay $0x3  }
0x34: {  	[smem:$0x3FB9] =	sst s10  }
0x35: {  	s10 =	sld [smem:$0x3FB8];
	_ =	sdelay $0x3  }
0x36: {  	p1 =	seq.s32 s10, $0x1;
	s10 =	sld [smem:$0x3FB9];
	_ =	sdelay $0x3  }
0x37: {  	[smem:$0x3FB9] =	sst s10  }
0x38: {  	s10 =	sld [smem:$0x3FBA]  }
0x39: {  	_ = 	snop;
	(pc) =	sbr.ind lr, $3  }
0x3a: {  	_ = 	snop  }
0x3b: {  	_ = 	snop  }
0x3c: {  	p2 =	seq.s32 s10, $0x1;
	s10 =	sld [smem:$0x3FB9]  }
0x3d: {  	_ =	shalt  }
0x3e: {  	_ =	shalt  }
0x3f: {  	_ =	shalt  }
0x40: {  	_ =	shalt  }
0x41: {  	_ =	shalt  }
0x42: {  	_ =	shalt  }
0x43: {  	_ =	shalt  }
0x44: {  	_ =	shalt  }
0x45: {  	_ =	shalt  }
0x46: {  	_ =	shalt  }
0x47: {  	_ =	shalt  }
0x48: {  	_ =	shalt  }
0x49: {  	_ =	shalt  }
0x4a: {  	_ =	shalt  }
0x4b: {  	_ =	shalt  }
0x4c: {  	_ =	shalt  }
0x4d: {  	_ =	shalt  }
0x4e: {  	_ =	shalt  }
0x4f: {  	_ =	shalt  }
0x50: {  	_ =	shalt  }
0x51: {  	_ =	shalt  }
0x52: {  	_ =	shalt  }
0x53: {  	_ =	shalt  }
0x54: {  	_ =	shalt  }
0x55: {  	_ =	shalt  }
0x56: {  	_ =	shalt  }
0x57: {  	_ =	shalt  }
0x58: {  	_ =	shalt  }
0x59: {  	_ =	shalt  }
0x5a: {  	_ =	shalt  }
0x5b: {  	_ =	shalt  }
0x5c: {  	_ =	shalt  }
0x5d: {  	_ =	shalt  }
0x5e: {  	_ =	shalt  }
0x5f: {  	_ =	shalt  }
0x60: {  	_ =	shalt  }
0x61: {  	_ =	shalt  }
0x62: {  	_ =	shalt  }
0x63: {  	_ =	shalt  }
0x64: {  	_ =	shalt  }
0x65: {  	_ =	shalt  }
0x66: {  	_ =	shalt  }
0x67: {  	_ =	shalt  }
0x68: {  	_ =	shalt  }
0x69: {  	_ =	shalt  }
0x6a: {  	_ =	shalt  }
0x6b: {  	_ =	shalt  }
0x6c: {  	_ =	shalt  }
0x6d: {  	_ =	shalt  }
0x6e: {  	_ =	shalt  }
0x6f: {  	_ =	shalt  }
0x70: {  	_ =	shalt  }
0x71: {  	_ =	shalt  }
0x72: {  	_ =	shalt  }
0x73: {  	_ =	shalt  }
0x74: {  	_ =	shalt  }
0x75: {  	_ =	shalt  }
0x76: {  	_ =	shalt  }
0x77: {  	_ =	shalt  }
0x78: {  	_ =	shalt  }
0x79: {  	_ =	shalt  }
0x7a: {  	_ =	shalt  }
0x7b: {  	_ =	shalt  }
0x7c: {  	_ =	shalt  }
0x7d: {  	_ =	shalt  }
0x7e: {  	_ =	shalt  }
0x7f: {  	_ =	shalt  }
0x80: {  	_ =	shalt  }
0x81: {  	_ =	shalt  }
0x82: {  	_ =	shalt  }
0x83: {  	_ =	shalt  }
0x84: {  	_ =	shalt  }
0x85: {  	_ =	shalt  }
0x86: {  	_ =	shalt  }
0x87: {  	_ =	shalt  }
.Lfunc_end0:
.L_simem_size_0:
called_computation_lowered:
.L_overlay_start_0:
0x88: {  	s2 =	sld [smem:$0x3FD9]  }
0x89: {  	s3 =	sld [smem:$0x3FFE];
	_ =	sdelay $0x1  }
0x8a: {  	s1 =	srdreg.scid  }
0x8b: {  	s0 =	sand.u32 $0x1, s1  }
0x8c: {  	s17 =	sshll.u32 s0, $0xA;
	s2 =	sadd.s32 s3, s2  }
0x8d: {  	s2 =	sadd.s32 s2, s17  }
0x8e: {  	[smem:$0x3FC5] =	sst s2  }
0x8f: {  	_ = 	snop  }
0x90: {  	s2 =	sld [smem:$0x3FC9];
	(tm) =	ssettm $0x1  }
0x91: {  	s18 =	sld [smem:$0x3FFB];
	_ =	sdelay $0x3  }
0x92: {  	_ =	strace s18  }
0x93: {  	s3 =	sld [smem:$0x3FFC];
	_ =	sdelay $0x3  }
0x94: {  	_ =	strace s3  }
0x95: {  	s3 =	sld [smem:$0x3FFD];
	_ =	sdelay $0x3  }
0x96: {  	_ =	strace s3  }
0x97: {  	_ =	strace $0x8FFFFFFF  }
0x98: {  	s19 =	sld [smem:$0x3FDB];
	_ =	sdelay $0x1  }
0x99: {  	s4 =	simm.s32 $_scs_section_size  }
0x9a: {  	s5 =	simm.s32 $_size__tile_overlayer_lowered;
	s6 =	simm.s32 $_tile_overlayer_lowered  }
0x9b: {  	s22 =	simm.s32 $0x1BFF;
	s21 =	sshll.u32 s6, $0x1;
	s3 =	sadd.s32 s4, s19  }
0x9c: {  	s7 =	simm.s32 $0x0;
	s20 =	sshll.u32 s5, $0x1;
	s5 =	sadd.s32 s21, s3  }
0x9d: {  	[timem:s7], [sflag:s22] =	dma.local [hbm:s5], s20  }
0x9e: {  	_ =	swait.ge [sflag:s22], s20  }
0x9f: {  	s4 =	ssub.s32 $0x0, s20;
	[sflag:s22] =	ssyncset.done $0x0  }
0xa0: {  	[sflag:s22] =	ssyncadd.s32 s4;
	_ =	sdelay $0x1  }
0xa1: {  	s23 =	simm.s32 $0x1B8B  }
0xa2: {  	_ =	swait.ge [sflag:s23], $0x1  }
0xa3: {  	[sflag:s23] =	ssyncset.done $0x0  }
0xa4: {  	s25 =	simm.s32 $0x1B8E;
	s24 =	sld [smem:$0x3FFE];
	[sflag:s23] =	ssyncadd.s32 $0xFFFFFFFF  }
0xa5: {  	s26 =	simm.s32 $execute0_lowered;
	[smem:$0x3FD2] =	sst s25  }
0xa6: {  	s5 =	sshll.u32 s26, $0x1;
	_ =	strace $0x80000046;
	[dreg:$0x1] =	wrdreg $0xFFFFFFFF  }
0xa7: {  	s28 =	simm.s32 $_size_execute0_lowered;
	s3 =	sadd.s32 s3, s5;
	[dreg:$0x0] =	wrdreg $0x0  }
0xa8: {  	s5 =	sshll.u32 s28, $0x1;
	[dreg:$0x2] =	wrdreg s3  }
0xa9: {  	[dreg:$0x3] =	wrdreg s5  }
0xaa: {  	[dreg:$0x4] =	wrdreg $0xC0  }
0xab: {  	_ =	task [dreg:s7], $0x5FFFF  }
0xac: {  	[dreg:$0x1] =	wrdreg $0xFFFFFFFF  }
0xad: {  	[dreg:$0x0] =	wrdreg $0x60  }
0xae: {  	[dreg:$0x2] =	wrdreg s2  }
0xaf: {  	[dreg:$0x3] =	wrdreg s24  }
0xb0: {  	[dreg:$0x4] =	wrdreg $0x9  }
0xb1: {  	_ =	task.clear_ibuf [dreg:s7], $0x5FFFF;
	_ =	strace $0x90000046  }
0xb2: {  	s29 =	simm.s32 $0x9;
	_ =	strace $0x80000048  }
0xb3: {  	_ =	swait.ge [sflag:s29], $0x1  }
0xb4: {  	[sflag:s29] =	ssyncadd.s32 $0xFFFFFFFF  }
0xb5: {  	_ =	strace $0x90000048  }
0xb6: {  	_ =	sfence  }
0xb7: {  	s30 =	sld [smem:$0x0];
	_ =	sdelay $0x2  }
0xb8: {  	s31 =	sshll.u32 s1, $0xD;
	s1 =	sshrl.u32 s1, $0x2  }
0xb9: {  	s3 =	sand.u32 $0x4000, s31;
	s1 =	sadd.s32 s1, s30  }
0xba: {  	s0 =	sor.u32 s3, s0;
	s1 =	sshll.u32 s1, $0x11  }
0xbb: {  	s0 =	sor.u32 s1, s0  }
0xbc: {  	s0 =	sadd.s32 $0x8F2B, s0  }
0xbd: {  	[sflag:s0] =	ssyncadd.remote.s32 $0x1  }
0xbe: {  	_ =	sfence.sel $0xFFFF  }
0xbf: {  	[dreg:$0x0] =	wrdreg $0xFFFFFFFF;
	(pc) =	sbr.abs _section_cstart, $3  }
0xc0: {  	[dreg:$0x1] =	wrdreg $0xFFFFFFFF  }
0xc1: {  	_ =	task.clear_ibuf [dreg:s7], $0x2FFFF;
	_ =	strace $0x9FFFFFFF  }
0xc2: {  	(tm) =	ssettm $0x7FFFFFFF  }
0xc3: {  	_ =	shalt  }
tec
execute0_lowered:
.L_overlay_start_1:
0x0: {  	(tag) =	ssettag $0x1  }
0x1: {  	s3 =	rddreg [dreg:$0x0]  }
0x2: {  	s7 =	rddreg [dreg:$0x1];
	s2 =	srdreg.scid  }
0x3: {  	s0 =	rddreg [dreg:$0x2];
	s1 =	stileid.u32;
	s5 =	sand.u32 $0x1, s2  }
0x4: {  	s2 =	simm.s32 $0x0;
	s4 =	sshll.u32 s1, $0x7;
	s6 =	sshll.u32 s5, $0x6  }
0x5: {  	[smem:$0x7FF] =	sst s2;
	s8 =	ssub.s32 $0x2, s5;
	s6 =	sor.u32 s6, s4  }
0x6: {  	_ =	strace $0x80000047;
	s4 =	simm.s32 $0x2;
	s3 =	sadd.s32 s3, s6  }
0x7: {  	[tilespmem:s2], [sflag:$0x2] =	stream.linear.gather [hbm4b:s3+s2], $0x200, $0x38;
	[tilespmem:$0x400] =	vst v63  }
0x8: {  	s9 =	sshrl.u32 s8, $0x1;
	s6 =	sadd.s32 s6, s7;
	_ =	swait.ge [sflag:s4], $0x200  }
0x9: {  	s8 =	ssub.s32 s8, s9;
	s5 =	sadd.s32 $0x800, s6;
	[sflag:s4] =	ssyncset.done $0x0  }
0xa: {  	s6 =	simm.s32 $0x200;
	s9 =	smax.u32 s8, $0x1;
	[sflag:s4] =	ssyncadd.s32 $0xFFFFFE00  }
0xb: {  	[tilespmem:s6], [sflag:$0x2] =	stream.linear.gather [hbm4b:s5+s2], $0x200, $0x38;
	[tilespmem:$0x400] =	vst v63  }
0xc: {  	p0 =	sne.s32 s9, $0x1;
	_ =	swait.ge [sflag:s4], $0x200  }
.Ltmp0:
0xd: {  	[sflag:s4] =	ssyncset.done $0x0;
	(pc) =	sbr.rel @!p0 .LBB2_2-.Ltmp0, $4  }
0xe: {  	s7 =	sadd.s32 $0x1000, s7;
	s8 =	simm.s32 $0x1;
	[sflag:s4] =	ssyncadd.s32 $0xFFFFFE00  }
0xf: {  	[hbm4b:s7+s6] =	stream.indirect.scatter [tilespmem:s6], [sflag:$0x1], $0x1, s2, s6, $0xb8;
	[tilespmem:$0x400] =	vst v63  }
0x10: {  	_ =	swait.ge [sflag:s8], $0x200  }
0x11: {  	s9 =	sadd.s32 $0xFFFFFFFF, s9;
	[sflag:s8] =	ssyncset.done $0x0  }
.LBB2_1:
0x12: {  	p0 =	sne.s32 s9, $0x1;
	s9 =	sadd.s32 $0xFFFFFFFF, s9;
	[sflag:s8] =	ssyncadd.s32 $0xFFFFFE00  }
0x13: {  	[tilespmem:s2], [sflag:$0x2] =	stream.linear.gather [hbm4b:s3+s2], $0x200, $0x38;
	[tilespmem:$0x400] =	vst v63  }
0x14: {  	_ =	swait.ge [sflag:s4], $0x200  }
0x15: {  	[sflag:s4] =	ssyncset.done $0x0  }
0x16: {  	[sflag:s4] =	ssyncadd.s32 $0xFFFFFE00  }
0x17: {  	[tilespmem:s6], [sflag:$0x2] =	stream.linear.gather [hbm4b:s5+s2], $0x200, $0x38;
	[tilespmem:$0x400] =	vst v63  }
0x18: {  	_ =	swait.ge [sflag:s4], $0x200  }
.Ltmp1:
0x19: {  	[sflag:s4] =	ssyncset.done $0x0;
	(pc) =	sbr.rel @p0 .LBB2_1-.Ltmp1, $4  }
0x1a: {  	[sflag:s4] =	ssyncadd.s32 $0xFFFFFE00  }
0x1b: {  	[hbm4b:s7+s6] =	stream.indirect.scatter [tilespmem:s6], [sflag:$0x1], $0x1, s2, s6, $0xb8;
	[tilespmem:$0x400] =	vst v63  }
0x1c: {  	_ =	swait.ge [sflag:s8], $0x200  }
0x1d: {  	[sflag:s8] =	ssyncset.done $0x0  }
.LBB2_2:
0x1e: {  	[sflag:s8] =	ssyncadd.s32 $0xFFFFFE00  }
0x1f: {  	_ =	sfence.sel $0x180000  }
0x20: {  	[bflag:$0x0] =	sbarrier.arrive $0xFFFF  }
0x21: {  	p0 =	sne.s32 s1, $0x0;
	_ =	strace $0x90000047  }
0x22: {  	s0 =	sadd.s32 @!p0 $0x100000, s0;
	[bflag:$0x2] =	sbarrier.arrive $0xFFFF  }
0x23: {  	[sflag:s0] =	ssyncadd.tile.s32 @!p0 $0x1;
	_ =	shalt  }
.Lfunc_end2:
_tile_overlayer_lowered:
.L_overlay_start_2:
0x24: {  	(tag) =	ssettag $0x2  }
0x25: {  	s0 =	rddreg [dreg:$0x0];
	s2 =	stileid.u32  }
0x26: {  	s1 =	rddreg [dreg:$0x1];
	p0 =	sne.s32 s2, $0x0  }
0x27: {  	s3 =	rddreg [dreg:$0x2];
	[bflag:$0x3] =	sbarrier.arrive $0xFFFF;
	s2 =	simm.s32 @!p0 $0x1C02  }
0x28: {  	[timem:s3], [sflag:s2] =	dma.local @!p0 [hbm:s0], s1  }
0x29: {  	s0 =	simm.s32 @!p0 $0x2  }
0x2a: {  	_ =	swait.ge @!p0 [sflag:s0], s1  }
0x2b: {  	s1 =	ssub.s32 @!p0 $0x0, s1;
	[sflag:s0] =	ssyncset.done @!p0 $0x0  }
0x2c: {  	[sflag:s0] =	ssyncadd.s32 @!p0 s1  }
0x2d: {  	[bflag:$0x3] =	sbarrier.arrive $0xFFFF  }
0x2e: {  	_ =	shalt  }

// kernel: kernel.8.cloned.1.call-start
scs
__scs_entry_jumppad:
0x0: {  	(pc) =	sbr.rel $0x88, $3  }
0x1: {  	(tag) =	ssettag $0x0;
	lr =	simm.s32 $0x1  }
0x2: {  	[smem:$0x3F9E] =	sst lr;
	_ =	strace $0xD0000000  }
0x3: {  	_ = 	snop  }
0x4: {  	_ = 	snop  }
0x5: {  	_ = 	snop  }
0x6: {  	_ = 	snop  }
0x7: {  	_ = 	snop  }
__scs_overlays_trampoline_lowered:
0x8: {  	[smem:$0x3FAD] =	sst s0  }
0x9: {  	[smem:$0x3FAE] =	sst s1  }
0xa: {  	[smem:$0x3FAF] =	sst s2  }
0xb: {  	[smem:$0x3FB0] =	sst s3  }
0xc: {  	[smem:$0x3FB1] =	sst s4  }
0xd: {  	[smem:$0x3FB2] =	sst s5  }
0xe: {  	[smem:$0x3FB3] =	sst s6  }
0xf: {  	[smem:$0x3FB4] =	sst s7  }
0x10: {  	[smem:$0x3FB5] =	sst s8  }
0x11: {  	[smem:$0x3FB6] =	sst s9;
	s0 =	simm.s32 @!p0 $0x0  }
0x12: {  	s1 =	sld [smem:$0x3F9C];
	s0 =	simm.s32 @p0 $0x1  }
0x13: {  	[smem:$0x3FB7] =	sst s0;
	s0 =	simm.s32 @!p1 $0x0  }
0x14: {  	s2 =	sld [smem:$0x3F9B];
	s0 =	simm.s32 @p1 $0x1  }
0x15: {  	[smem:$0x3FB8] =	sst s0;
	s0 =	simm.s32 @!p2 $0x0  }
0x16: {  	s3 =	sld [smem:$0x3FDB];
	s0 =	simm.s32 @p2 $0x1  }
0x17: {  	s4 =	simm.s32 $0x1BF5;
	[smem:$0x3FBA] =	sst s0  }
0x18: {  	s0 =	sld [smem:$0x3F9D];
	_ =	swait.ge [sflag:s4], $0x0  }
0x19: {  	s7 =	sld [smem:$0x3F9E]  }
0x1a: {  	s8 =	sadd.s32 $0xFFFFE003, lr  }
0x1b: {  	s9 =	sadd.s32 $0xFFFFFEF7, lr;
	s5 =	simm.s32 $0xFFFFFFFF;
	p2 =	slt.u32 s8, $0xFFFFF086  }
0x1c: {  	p1 =	slt.u32 s9, $0xF7A;
	s5 =	simm.s32 @!p2 $0x0  }
0x1d: {  	s5 =	simm.s32 @p1 $0x1;
	p0 =	seq.s32 s7, s2  }
0x1e: {  	s7 =	smul.u32 @!p0 $0xF7A, s2;
	p2 =	seq.s32 @!p0 s5, $0x0  }
0x1f: {  	s9 =	smul.u32 $0xF7A, s1;
	s8 =	simm.s32 @!p0 $0x1BF5;
	p2 =	por !p2, p0  }
0x20: {  	[sflag:s8] =	ssyncset.s32 @!p0 $0xFFFFF086;
	s6 =	sadd.s32 @!p0 s3, s7;
	s7 =	simm.s32 @!p0 $0x108  }
0x21: {  	s3 =	sadd.s32 s3, s9;
	s6 =	sadd.s32 @!p0 $0x88, s6;
	s7 =	simm.s32 @p2 $0x1082  }
0x22: {  	[simem:s7], [sflag:s8] =	dma.local @!p0 [hbm:s6], $0xF7A  }
0x23: {  	s9 =	sor.u32 $0xD0000000, s2;
	s6 =	simm.s32 $0x108;
	_ =	swait.ge @!p0 [sflag:s8], $0x0  }
0x24: {  	s3 =	sadd.s32 $0x88, s3;
	s6 =	simm.s32 @!p1 $0x1082;
	[sflag:s4] =	ssyncset.s32 $0xFFFFF086  }
0x25: {  	[simem:s6], [sflag:s4] =	dma.local [hbm:s3], $0xF7A  }
0x26: {  	[smem:$0x3F9E] =	sst s1;
	(tag) =	ssettag s2;
	_ =	strace s9  }
0x27: {  	s1 =	sld [smem:$0x3FAE]  }
0x28: {  	s2 =	sld [smem:$0x3FAF]  }
0x29: {  	s4 =	sld [smem:$0x3FB1]  }
0x2a: {  	p0 =	seq.s32 s5, $0x0;
	s5 =	sld [smem:$0x3FB2]  }
0x2b: {  	s6 =	sld [smem:$0x3FB3]  }
0x2c: {  	s7 =	sld [smem:$0x3FB4]  }
0x2d: {  	s3 =	simm.s32 $0x108;
	s8 =	sld [smem:$0x3FB5]  }
0x2e: {  	s3 =	simm.s32 @!p0 $0x1082;
	s9 =	sld [smem:$0x3FB6]  }
0x2f: {  	lr =	sadd.s32 s0, s3;
	s0 =	sld [smem:$0x3FAD]  }
0x30: {  	s3 =	sld [smem:$0x3FB0]  }
0x31: {  	[smem:$0x3FB9] =	sst s10  }
0x32: {  	s10 =	sld [smem:$0x3FB7];
	_ =	sdelay $0x3  }
0x33: {  	p0 =	seq.s32 s10, $0x1;
	s10 =	sld [smem:$0x3FB9];
	_ =	sdelay $0x3  }
0x34: {  	[smem:$0x3FB9] =	sst s10  }
0x35: {  	s10 =	sld [smem:$0x3FB8];
	_ =	sdelay $0x3  }
0x36: {  	p1 =	seq.s32 s10, $0x1;
	s10 =	sld [smem:$0x3FB9];
	_ =	sdelay $0x3  }
0x37: {  	[smem:$0x3FB9] =	sst s10  }
0x38: {  	s10 =	sld [smem:$0x3FBA]  }
0x39: {  	_ = 	snop;
	(pc) =	sbr.ind lr, $3  }
0x3a: {  	_ = 	snop  }
0x3b: {  	_ = 	snop  }
0x3c: {  	p2 =	seq.s32 s10, $0x1;
	s10 =	sld [smem:$0x3FB9]  }
0x3d: {  	_ =	shalt  }
0x3e: {  	_ =	shalt  }
0x3f: {  	_ =	shalt  }
0x40: {  	_ =	shalt  }
0x41: {  	_ =	shalt  }
0x42: {  	_ =	shalt  }
0x43: {  	_ =	shalt  }
0x44: {  	_ =	shalt  }
0x45: {  	_ =	shalt  }
0x46: {  	_ =	shalt  }
0x47: {  	_ =	shalt  }
0x48: {  	_ =	shalt  }
0x49: {  	_ =	shalt  }
0x4a: {  	_ =	shalt  }
0x4b: {  	_ =	shalt  }
0x4c: {  	_ =	shalt  }
0x4d: {  	_ =	shalt  }
0x4e: {  	_ =	shalt  }
0x4f: {  	_ =	shalt  }
0x50: {  	_ =	shalt  }
0x51: {  	_ =	shalt  }
0x52: {  	_ =	shalt  }
0x53: {  	_ =	shalt  }
0x54: {  	_ =	shalt  }
0x55: {  	_ =	shalt  }
0x56: {  	_ =	shalt  }
0x57: {  	_ =	shalt  }
0x58: {  	_ =	shalt  }
0x59: {  	_ =	shalt  }
0x5a: {  	_ =	shalt  }
0x5b: {  	_ =	shalt  }
0x5c: {  	_ =	shalt  }
0x5d: {  	_ =	shalt  }
0x5e: {  	_ =	shalt  }
0x5f: {  	_ =	shalt  }
0x60: {  	_ =	shalt  }
0x61: {  	_ =	shalt  }
0x62: {  	_ =	shalt  }
0x63: {  	_ =	shalt  }
0x64: {  	_ =	shalt  }
0x65: {  	_ =	shalt  }
0x66: {  	_ =	shalt  }
0x67: {  	_ =	shalt  }
0x68: {  	_ =	shalt  }
0x69: {  	_ =	shalt  }
0x6a: {  	_ =	shalt  }
0x6b: {  	_ =	shalt  }
0x6c: {  	_ =	shalt  }
0x6d: {  	_ =	shalt  }
0x6e: {  	_ =	shalt  }
0x6f: {  	_ =	shalt  }
0x70: {  	_ =	shalt  }
0x71: {  	_ =	shalt  }
0x72: {  	_ =	shalt  }
0x73: {  	_ =	shalt  }
0x74: {  	_ =	shalt  }
0x75: {  	_ =	shalt  }
0x76: {  	_ =	shalt  }
0x77: {  	_ =	shalt  }
0x78: {  	_ =	shalt  }
0x79: {  	_ =	shalt  }
0x7a: {  	_ =	shalt  }
0x7b: {  	_ =	shalt  }
0x7c: {  	_ =	shalt  }
0x7d: {  	_ =	shalt  }
0x7e: {  	_ =	shalt  }
0x7f: {  	_ =	shalt  }
0x80: {  	_ =	shalt  }
0x81: {  	_ =	shalt  }
0x82: {  	_ =	shalt  }
0x83: {  	_ =	shalt  }
0x84: {  	_ =	shalt  }
0x85: {  	_ =	shalt  }
0x86: {  	_ =	shalt  }
0x87: {  	_ =	shalt  }
.Lfunc_end0:
.L_simem_size_0:
called_computation.1_lowered:
.L_overlay_start_0:
0x88: {  	s2 =	sld [smem:$0x3FD9]  }
0x89: {  	s3 =	sld [smem:$0x3FFE];
	_ =	sdelay $0x1  }
0x8a: {  	s1 =	srdreg.scid  }
0x8b: {  	s0 =	sand.u32 $0x1, s1  }
0x8c: {  	s17 =	sshll.u32 s0, $0xA;
	s2 =	sadd.s32 s3, s2  }
0x8d: {  	s2 =	sadd.s32 s2, s17  }
0x8e: {  	[smem:$0x3FC5] =	sst s2  }
0x8f: {  	_ = 	snop  }
0x90: {  	s2 =	sld [smem:$0x3FC9];
	(tm) =	ssettm $0x1  }
0x91: {  	s18 =	sld [smem:$0x3FFB];
	_ =	sdelay $0x3  }
0x92: {  	_ =	strace s18  }
0x93: {  	s3 =	sld [smem:$0x3FFC];
	_ =	sdelay $0x3  }
0x94: {  	_ =	strace s3  }
0x95: {  	s3 =	sld [smem:$0x3FFD];
	_ =	sdelay $0x3  }
0x96: {  	_ =	strace s3  }
0x97: {  	_ =	strace $0x8FFFFFFF  }
0x98: {  	s19 =	sld [smem:$0x3FDB];
	_ =	sdelay $0x1  }
0x99: {  	s4 =	simm.s32 $_scs_section_size  }
0x9a: {  	s5 =	simm.s32 $_size__tile_overlayer_lowered;
	s6 =	simm.s32 $_tile_overlayer_lowered  }
0x9b: {  	s22 =	simm.s32 $0x1BFF;
	s21 =	sshll.u32 s6, $0x1;
	s3 =	sadd.s32 s4, s19  }
0x9c: {  	s7 =	simm.s32 $0x0;
	s20 =	sshll.u32 s5, $0x1;
	s5 =	sadd.s32 s21, s3  }
0x9d: {  	[timem:s7], [sflag:s22] =	dma.local [hbm:s5], s20  }
0x9e: {  	_ =	swait.ge [sflag:s22], s20  }
0x9f: {  	s4 =	ssub.s32 $0x0, s20;
	[sflag:s22] =	ssyncset.done $0x0  }
0xa0: {  	[sflag:s22] =	ssyncadd.s32 s4;
	_ =	sdelay $0x1  }
0xa1: {  	s23 =	simm.s32 $0x1B8B  }
0xa2: {  	_ =	swait.ge [sflag:s23], $0x1  }
0xa3: {  	[sflag:s23] =	ssyncset.done $0x0  }
0xa4: {  	s25 =	simm.s32 $0x1B8E;
	s24 =	sld [smem:$0x3FFE];
	[sflag:s23] =	ssyncadd.s32 $0xFFFFFFFF  }
0xa5: {  	s26 =	simm.s32 $execute0_lowered;
	[smem:$0x3FD2] =	sst s25  }
0xa6: {  	s5 =	sshll.u32 s26, $0x1;
	_ =	strace $0x80000049;
	[dreg:$0x1] =	wrdreg $0xFFFFFFFF  }
0xa7: {  	s28 =	simm.s32 $_size_execute0_lowered;
	s3 =	sadd.s32 s3, s5;
	[dreg:$0x0] =	wrdreg $0x0  }
0xa8: {  	s5 =	sshll.u32 s28, $0x1;
	[dreg:$0x2] =	wrdreg s3  }
0xa9: {  	[dreg:$0x3] =	wrdreg s5  }
0xaa: {  	[dreg:$0x4] =	wrdreg $0xC0  }
0xab: {  	_ =	task [dreg:s7], $0x5FFFF  }
0xac: {  	[dreg:$0x1] =	wrdreg $0xFFFFFFFF  }
0xad: {  	[dreg:$0x0] =	wrdreg $0x60  }
0xae: {  	[dreg:$0x2] =	wrdreg s2  }
0xaf: {  	[dreg:$0x3] =	wrdreg s24  }
0xb0: {  	[dreg:$0x4] =	wrdreg $0x9  }
0xb1: {  	_ =	task.clear_ibuf [dreg:s7], $0x5FFFF;
	_ =	strace $0x90000049  }
0xb2: {  	s29 =	simm.s32 $0x9;
	_ =	strace $0x8000004B  }
0xb3: {  	_ =	swait.ge [sflag:s29], $0x1  }
0xb4: {  	[sflag:s29] =	ssyncadd.s32 $0xFFFFFFFF  }
0xb5: {  	_ =	strace $0x9000004B  }
0xb6: {  	_ =	sfence  }
0xb7: {  	s30 =	sld [smem:$0x0];
	_ =	sdelay $0x2  }
0xb8: {  	s31 =	sshll.u32 s1, $0xD;
	s1 =	sshrl.u32 s1, $0x2  }
0xb9: {  	s3 =	sand.u32 $0x4000, s31;
	s1 =	sadd.s32 s1, s30  }
0xba: {  	s0 =	sor.u32 s3, s0;
	s1 =	sshll.u32 s1, $0x11  }
0xbb: {  	s0 =	sor.u32 s1, s0  }
0xbc: {  	s0 =	sadd.s32 $0x8F2B, s0  }
0xbd: {  	[sflag:s0] =	ssyncadd.remote.s32 $0x1  }
0xbe: {  	_ =	sfence.sel $0xFFFF  }
0xbf: {  	[dreg:$0x0] =	wrdreg $0xFFFFFFFF;
	(pc) =	sbr.abs _section_cstart, $3  }
0xc0: {  	[dreg:$0x1] =	wrdreg $0xFFFFFFFF  }
0xc1: {  	_ =	task.clear_ibuf [dreg:s7], $0x2FFFF;
	_ =	strace $0x9FFFFFFF  }
0xc2: {  	(tm) =	ssettm $0x7FFFFFFF  }
0xc3: {  	_ =	shalt  }
tec
execute0_lowered:
.L_overlay_start_1:
0x0: {  	(tag) =	ssettag $0x1  }
0x1: {  	s0 =	srdreg.scid  }
0x2: {  	s1 =	rddreg [dreg:$0x0];
	s2 =	stileid.u32  }
0x3: {  	s3 =	rddreg [dreg:$0x1];
	s18 =	simm.s32 $0x2C0;
	s28 =	simm.s32 $0x100  }
0x4: {  	s17 =	simm.s32 $0x300;
	s29 =	simm.s32 $0x140;
	s16 =	simm.s32 $0x340  }
0x5: {  	s30 =	simm.s32 $0x180;
	s15 =	simm.s32 $0x380;
	s31 =	simm.s32 $0x1C0  }
0x6: {  	s11 =	simm.s32 $0x3C0;
	p0 =	por $0x0, $0x0;
	s12 =	simm.s32 $0x400  }
0x7: {  	s10 =	simm.s32 $0xFE00;
	s14 =	simm.s32 $0x2;
	s9 =	simm.s32 $0x4  }
0x8: {  	s13 =	simm.s32 $0x3;
	s8 =	simm.s32 $0x5;
	s0 =	sand.u32 $0x1, s0  }
0x9: {  	s4 =	sshll.u32 s2, $0xA;
	s2 =	simm.s32 $0x0;
	s7 =	sadd.s32 $0x3F8200, s3  }
0xa: {  	s22 =	sadd.s32 $0x1000, s3;
	s3 =	sadd.s32 $0x204200, s3;
	s5 =	sshll.u32 s0, $0x9  }
0xb: {  	[smem:$0x7FF] =	sst s2;
	s0 =	ssub.s32 $0x2, s0;
	s4 =	sor.u32 s5, s4  }
0xc: {  	_ =	strace $0x8000004A;
	s25 =	sshrl.u32 s0, $0x1;
	s5 =	smul.u32 $0x3E8, s4  }
0xd: {  	s6 =	sshrl.u32 s4, $0x3;
	s4 =	smul.u32 $0x7D, s4;
	s0 =	ssub.s32 s0, s25  }
0xe: {  	s25 =	simm.s32 $0x80;
	s1 =	sadd.s32 s1, s6;
	s0 =	smax.u32 s0, $0x1  }
0xf: {  	s5 =	sshrl.u32 s5, $0x3;
	[dreg:$0x3] =	wrdreg s1;
	s19 =	sadd.s32 s7, s4  }
0x10: {  	p1 =	sne.s32 s0, $0x1;
	s1 =	sadd.s32 $0xFFFFFFFF, s0;
	s20 =	sadd.s32 s7, s5  }
0x11: {  	[dreg:$0x4] =	wrdreg s19;
	s7 =	simm.s32 $0x40;
	s19 =	simm.s32 $0x280  }
0x12: {  	s0 =	rddreg [dreg:$0x3];
	s21 =	sadd.s32 $0x1F40, s20;
	s23 =	sadd.s32 $0x3E80, s20  }
.Ltmp0:
0x13: {  	s24 =	sadd.s32 $0x5DC0, s20;
	[dreg:$0x5] =	wrdreg s21;
	(pc) =	sbr.rel @!p1 .LBB2_3-.Ltmp0, $4  }
0x14: {  	s26 =	sadd.s32 $0x7D00, s20;
	s6 =	sadd.s32 $0x9C40, s20;
	[dreg:$0x6] =	wrdreg s23  }
0x15: {  	s5 =	sadd.s32 $0xBB80, s20;
	s4 =	sadd.s32 $0xDAC0, s20;
	[dreg:$0x7] =	wrdreg s24  }
0x16: {  	s20 =	simm.s32 $0x200;
	[dreg:$0x8] =	wrdreg s26;
	s24 =	simm.s32 $0x6  }
0x17: {  	s21 =	simm.s32 $0x240;
	s26 =	simm.s32 $0xC0;
	s23 =	simm.s32 $0x1  }
0x18: {  	[tilespmem:s2], [sflag:$0x6] =	stream.linear.gather [hbm4b:s0+s2], $0x200, $0x38;
	[tilespmem:$0x1F800] =	vst v63  }
0x19: {  	_ =	swait.ge [sflag:s24], $0x200  }
0x1a: {  	[sflag:s24] =	ssyncset.done $0x0  }
0x1b: {  	[sflag:s24] =	ssyncadd.s32 $0xFFFFFE00  }
0x1c: {  	[tilespmem:s20], [sflag:$0x1] =	stream.indirect.gather [hbm4b:s22+s7], $0x1, s2, s7, $0xb8;
	[tilespmem:$0x1F800] =	vst v63  }
0x1d: {  	_ = 	snop  }
0x1e: {  	[tilespmem:s21], [sflag:$0x1] =	stream.indirect.gather [hbm4b:s22+s7], $0x1, s7, s7, $0xb8;
	[tilespmem:$0x1F800] =	vst v63  }
0x1f: {  	_ = 	snop  }
0x20: {  	[tilespmem:s19], [sflag:$0x1] =	stream.indirect.gather [hbm4b:s22+s7], $0x1, s25, s7, $0xb8;
	[tilespmem:$0x1F800] =	vst v63  }
0x21: {  	_ = 	snop  }
0x22: {  	[tilespmem:s18], [sflag:$0x1] =	stream.indirect.gather [hbm4b:s22+s7], $0x1, s26, s7, $0xb8;
	[tilespmem:$0x1F800] =	vst v63  }
0x23: {  	_ = 	snop  }
0x24: {  	[tilespmem:s17], [sflag:$0x1] =	stream.indirect.gather [hbm4b:s22+s7], $0x1, s28, s7, $0xb8;
	[tilespmem:$0x1F800] =	vst v63  }
0x25: {  	_ = 	snop  }
0x26: {  	[tilespmem:s16], [sflag:$0x1] =	stream.indirect.gather [hbm4b:s22+s7], $0x1, s29, s7, $0xb8;
	[tilespmem:$0x1F800] =	vst v63  }
0x27: {  	_ = 	snop  }
0x28: {  	[tilespmem:s15], [sflag:$0x1] =	stream.indirect.gather [hbm4b:s22+s7], $0x1, s30, s7, $0xb8;
	[tilespmem:$0x1F800] =	vst v63  }
0x29: {  	_ = 	snop  }
0x2a: {  	[tilespmem:s11], [sflag:$0x1] =	stream.indirect.gather [hbm4b:s22+s7], $0x1, s31, s7, $0xb8;
	[tilespmem:$0x1F800] =	vst v63  }
0x2b: {  	_ =	swait.ge [sflag:s23], $0x40  }
0x2c: {  	[sflag:s23] =	ssyncset.done $0x0  }
0x2d: {  	[sflag:s23] =	ssyncadd.s32 $0xFFFFFFC0  }
0x2e: {  	_ =	swait.ge [sflag:s23], $0x40  }
0x2f: {  	[sflag:s23] =	ssyncset.done $0x0  }
0x30: {  	[sflag:s23] =	ssyncadd.s32 $0xFFFFFFC0  }
0x31: {  	_ =	swait.ge [sflag:s23], $0x40  }
0x32: {  	[sflag:s23] =	ssyncset.done $0x0  }
0x33: {  	[sflag:s23] =	ssyncadd.s32 $0xFFFFFFC0  }
0x34: {  	_ =	swait.ge [sflag:s23], $0x40  }
0x35: {  	[sflag:s23] =	ssyncset.done $0x0  }
0x36: {  	[sflag:s23] =	ssyncadd.s32 $0xFFFFFFC0  }
0x37: {  	_ =	swait.ge [sflag:s23], $0x40  }
0x38: {  	[sflag:s23] =	ssyncset.done $0x0  }
0x39: {  	[sflag:s23] =	ssyncadd.s32 $0xFFFFFFC0  }
0x3a: {  	_ =	swait.ge [sflag:s23], $0x40  }
0x3b: {  	[sflag:s23] =	ssyncset.done $0x0  }
0x3c: {  	[sflag:s23] =	ssyncadd.s32 $0xFFFFFFC0  }
0x3d: {  	_ =	swait.ge [sflag:s23], $0x40  }
0x3e: {  	[sflag:s23] =	ssyncset.done $0x0  }
0x3f: {  	[sflag:s23] =	ssyncadd.s32 $0xFFFFFFC0  }
0x40: {  	_ =	swait.ge [sflag:s23], $0x40  }
0x41: {  	[sflag:s23] =	ssyncset.done $0x0  }
0x42: {  	[sflag:s23] =	ssyncadd.s32 $0xFFFFFFC0  }
0x43: {  	[tilespmem:s12], [sflag:$0x2] =	stream.indirect.gather [hbm4b:s3+s7], $0x3E8, s20, s7, $0xb8;
	[tilespmem:$0x1F800] =	vst v63  }
0x44: {  	_ = 	snop  }
0x45: {  	[tilespmem:s10], [sflag:$0x3] =	stream.indirect.gather [hbm4b:s3+s7], $0x3E8, s21, s7, $0xb8;
	[tilespmem:$0x1F800] =	vst v63  }
0x46: {  	_ =	swait.ge [sflag:s14], $0xFA00  }
0x47: {  	[sflag:s14] =	ssyncset.done $0x0  }
0x48: {  	s0 =	rddreg [dreg:$0x4];
	[sflag:s14] =	ssyncadd.s32 $0xFFFF0600  }
0x49: {  	[hbm4b:s0+s2] =	stream.linear.scatter [tilespmem:s12], [sflag:$0x4], $0xFA00, $0x38;
	[tilespmem:$0x1F800] =	vst v63  }
0x4a: {  	_ =	swait.ge [sflag:s9], $0xFA00  }
0x4b: {  	[sflag:s9] =	ssyncset.done $0x0  }
0x4c: {  	[sflag:s9] =	ssyncadd.s32 $0xFFFF0600  }
0x4d: {  	[tilespmem:s12], [sflag:$0x2] =	stream.indirect.gather [hbm4b:s3+s7], $0x3E8, s19, s7, $0xb8;
	[tilespmem:$0x1F800] =	vst v63  }
0x4e: {  	_ =	swait.ge [sflag:s13], $0xFA00  }
0x4f: {  	[sflag:s13] =	ssyncset.done $0x0  }
0x50: {  	s0 =	rddreg [dreg:$0x5];
	[sflag:s13] =	ssyncadd.s32 $0xFFFF0600  }
0x51: {  	[hbm4b:s0+s2] =	stream.linear.scatter [tilespmem:s10], [sflag:$0x5], $0xFA00, $0x38;
	[tilespmem:$0x1F800] =	vst v63  }
0x52: {  	_ =	swait.ge [sflag:s8], $0xFA00  }
0x53: {  	[sflag:s8] =	ssyncset.done $0x0  }
0x54: {  	[sflag:s8] =	ssyncadd.s32 $0xFFFF0600  }
0x55: {  	[tilespmem:s10], [sflag:$0x3] =	stream.indirect.gather [hbm4b:s3+s7], $0x3E8, s18, s7, $0xb8;
	[tilespmem:$0x1F800] =	vst v63  }
0x56: {  	_ =	swait.ge [sflag:s14], $0xFA00  }
0x57: {  	[sflag:s14] =	ssyncset.done $0x0  }
0x58: {  	s0 =	rddreg [dreg:$0x6];
	[sflag:s14] =	ssyncadd.s32 $0xFFFF0600  }
0x59: {  	[hbm4b:s0+s2] =	stream.linear.scatter [tilespmem:s12], [sflag:$0x4], $0xFA00, $0x38;
	[tilespmem:$0x1F800] =	vst v63  }
0x5a: {  	_ =	swait.ge [sflag:s9], $0xFA00  }
0x5b: {  	[sflag:s9] =	ssyncset.done $0x0  }
0x5c: {  	[sflag:s9] =	ssyncadd.s32 $0xFFFF0600  }
0x5d: {  	[tilespmem:s12], [sflag:$0x2] =	stream.indirect.gather [hbm4b:s3+s7], $0x3E8, s17, s7, $0xb8;
	[tilespmem:$0x1F800] =	vst v63  }
0x5e: {  	_ =	swait.ge [sflag:s13], $0xFA00  }
0x5f: {  	[sflag:s13] =	ssyncset.done $0x0  }
0x60: {  	s0 =	rddreg [dreg:$0x7];
	[sflag:s13] =	ssyncadd.s32 $0xFFFF0600  }
0x61: {  	[hbm4b:s0+s2] =	stream.linear.scatter [tilespmem:s10], [sflag:$0x5], $0xFA00, $0x38;
	[tilespmem:$0x1F800] =	vst v63  }
0x62: {  	_ =	swait.ge [sflag:s8], $0xFA00  }
0x63: {  	[sflag:s8] =	ssyncset.done $0x0  }
0x64: {  	[sflag:s8] =	ssyncadd.s32 $0xFFFF0600  }
0x65: {  	[tilespmem:s10], [sflag:$0x3] =	stream.indirect.gather [hbm4b:s3+s7], $0x3E8, s16, s7, $0xb8;
	[tilespmem:$0x1F800] =	vst v63  }
0x66: {  	_ =	swait.ge [sflag:s14], $0xFA00  }
0x67: {  	[sflag:s14] =	ssyncset.done $0x0  }
0x68: {  	s0 =	rddreg [dreg:$0x8];
	[sflag:s14] =	ssyncadd.s32 $0xFFFF0600  }
0x69: {  	[hbm4b:s0+s2] =	stream.linear.scatter [tilespmem:s12], [sflag:$0x4], $0xFA00, $0x38;
	[tilespmem:$0x1F800] =	vst v63  }
0x6a: {  	_ =	swait.ge [sflag:s9], $0xFA00  }
0x6b: {  	[sflag:s9] =	ssyncset.done $0x0  }
0x6c: {  	[sflag:s9] =	ssyncadd.s32 $0xFFFF0600  }
0x6d: {  	[tilespmem:s12], [sflag:$0x2] =	stream.indirect.gather [hbm4b:s3+s7], $0x3E8, s15, s7, $0xb8;
	[tilespmem:$0x1F800] =	vst v63  }
0x6e: {  	_ =	swait.ge [sflag:s13], $0xFA00  }
0x6f: {  	[sflag:s13] =	ssyncset.done $0x0  }
0x70: {  	[sflag:s13] =	ssyncadd.s32 $0xFFFF0600  }
0x71: {  	[hbm4b:s6+s2] =	stream.linear.scatter [tilespmem:s10], [sflag:$0x5], $0xFA00, $0x38;
	[tilespmem:$0x1F800] =	vst v63  }
0x72: {  	_ =	swait.ge [sflag:s8], $0xFA00  }
0x73: {  	[sflag:s8] =	ssyncset.done $0x0  }
0x74: {  	[sflag:s8] =	ssyncadd.s32 $0xFFFF0600  }
0x75: {  	[tilespmem:s10], [sflag:$0x3] =	stream.indirect.gather [hbm4b:s3+s7], $0x3E8, s11, s7, $0xb8;
	[tilespmem:$0x1F800] =	vst v63  }
0x76: {  	_ =	swait.ge [sflag:s14], $0xFA00  }
0x77: {  	[sflag:s14] =	ssyncset.done $0x0  }
0x78: {  	[sflag:s14] =	ssyncadd.s32 $0xFFFF0600  }
0x79: {  	[hbm4b:s5+s2] =	stream.linear.scatter [tilespmem:s12], [sflag:$0x4], $0xFA00, $0x38;
	[tilespmem:$0x1F800] =	vst v63  }
0x7a: {  	_ =	swait.ge [sflag:s13], $0xFA00  }
0x7b: {  	[sflag:s13] =	ssyncset.done $0x0  }
0x7c: {  	p1 =	sne.s32 s1, $0x1;
	[sflag:s13] =	ssyncadd.s32 $0xFFFF0600  }
0x7d: {  	[hbm4b:s4+s2] =	stream.linear.scatter [tilespmem:s10], [sflag:$0x5], $0xFA00, $0x38;
	[tilespmem:$0x1F800] =	vst v63  }
.Ltmp1:
0x7e: {  	_ =	swait.ge [sflag:s9], $0xFA00;
	(pc) =	sbr.rel @!p1 .LBB2_3-.Ltmp1, $4  }
0x7f: {  	[sflag:s9] =	ssyncset.done $0x0  }
0x80: {  	[sflag:s9] =	ssyncadd.s32 $0xFFFF0600  }
0x81: {  	s1 =	sadd.s32 $0xFFFFFFFF, s1;
	_ =	swait.ge [sflag:s8], $0xFA00  }
0x82: {  	p0 =	por $0x1, $0x1;
	s0 =	rddreg [dreg:$0x3];
	[sflag:s8] =	ssyncset.done $0x0  }
.LBB2_2:
0x83: {  	[sflag:s8] =	ssyncadd.s32 $0xFFFF0600  }
0x84: {  	[tilespmem:s2], [sflag:$0x6] =	stream.linear.gather [hbm4b:s0+s2], $0x200, $0x38;
	[tilespmem:$0x1F800] =	vst v63  }
0x85: {  	_ =	swait.ge [sflag:s24], $0x200  }
0x86: {  	[sflag:s24] =	ssyncset.done $0x0  }
0x87: {  	[sflag:s24] =	ssyncadd.s32 $0xFFFFFE00  }
0x88: {  	[tilespmem:s20], [sflag:$0x1] =	stream.indirect.gather [hbm4b:s22+s7], $0x1, s2, s7, $0xb8;
	[tilespmem:$0x1F800] =	vst v63  }
0x89: {  	_ = 	snop  }
0x8a: {  	[tilespmem:s21], [sflag:$0x1] =	stream.indirect.gather [hbm4b:s22+s7], $0x1, s7, s7, $0xb8;
	[tilespmem:$0x1F800] =	vst v63  }
0x8b: {  	_ = 	snop  }
0x8c: {  	[tilespmem:s19], [sflag:$0x1] =	stream.indirect.gather [hbm4b:s22+s7], $0x1, s25, s7, $0xb8;
	[tilespmem:$0x1F800] =	vst v63  }
0x8d: {  	_ = 	snop  }
0x8e: {  	[tilespmem:s18], [sflag:$0x1] =	stream.indirect.gather [hbm4b:s22+s7], $0x1, s26, s7, $0xb8;
	[tilespmem:$0x1F800] =	vst v63  }
0x8f: {  	_ = 	snop  }
0x90: {  	[tilespmem:s17], [sflag:$0x1] =	stream.indirect.gather [hbm4b:s22+s7], $0x1, s28, s7, $0xb8;
	[tilespmem:$0x1F800] =	vst v63  }
0x91: {  	_ = 	snop  }
0x92: {  	[tilespmem:s16], [sflag:$0x1] =	stream.indirect.gather [hbm4b:s22+s7], $0x1, s29, s7, $0xb8;
	[tilespmem:$0x1F800] =	vst v63  }
0x93: {  	_ = 	snop  }
0x94: {  	[tilespmem:s15], [sflag:$0x1] =	stream.indirect.gather [hbm4b:s22+s7], $0x1, s30, s7, $0xb8;
	[tilespmem:$0x1F800] =	vst v63  }
0x95: {  	_ = 	snop  }
0x96: {  	[tilespmem:s11], [sflag:$0x1] =	stream.indirect.gather [hbm4b:s22+s7], $0x1, s31, s7, $0xb8;
	[tilespmem:$0x1F800] =	vst v63  }
0x97: {  	_ =	swait.ge [sflag:s23], $0x40  }
0x98: {  	[sflag:s23] =	ssyncset.done $0x0  }
0x99: {  	[sflag:s23] =	ssyncadd.s32 $0xFFFFFFC0  }
0x9a: {  	_ =	swait.ge [sflag:s23], $0x40  }
0x9b: {  	[sflag:s23] =	ssyncset.done $0x0  }
0x9c: {  	[sflag:s23] =	ssyncadd.s32 $0xFFFFFFC0  }
0x9d: {  	_ =	swait.ge [sflag:s23], $0x40  }
0x9e: {  	[sflag:s23] =	ssyncset.done $0x0  }
0x9f: {  	[sflag:s23] =	ssyncadd.s32 $0xFFFFFFC0  }
0xa0: {  	_ =	swait.ge [sflag:s23], $0x40  }
0xa1: {  	[sflag:s23] =	ssyncset.done $0x0  }
0xa2: {  	[sflag:s23] =	ssyncadd.s32 $0xFFFFFFC0  }
0xa3: {  	_ =	swait.ge [sflag:s23], $0x40  }
0xa4: {  	[sflag:s23] =	ssyncset.done $0x0  }
0xa5: {  	[sflag:s23] =	ssyncadd.s32 $0xFFFFFFC0  }
0xa6: {  	_ =	swait.ge [sflag:s23], $0x40  }
0xa7: {  	[sflag:s23] =	ssyncset.done $0x0  }
0xa8: {  	[sflag:s23] =	ssyncadd.s32 $0xFFFFFFC0  }
0xa9: {  	_ =	swait.ge [sflag:s23], $0x40  }
0xaa: {  	[sflag:s23] =	ssyncset.done $0x0  }
0xab: {  	[sflag:s23] =	ssyncadd.s32 $0xFFFFFFC0  }
0xac: {  	_ =	swait.ge [sflag:s23], $0x40  }
0xad: {  	[sflag:s23] =	ssyncset.done $0x0  }
0xae: {  	[sflag:s23] =	ssyncadd.s32 $0xFFFFFFC0  }
0xaf: {  	[tilespmem:s12], [sflag:$0x2] =	stream.indirect.gather [hbm4b:s3+s7], $0x3E8, s20, s7, $0xb8;
	[tilespmem:$0x1F800] =	vst v63  }
0xb0: {  	_ = 	snop  }
0xb1: {  	[tilespmem:s10], [sflag:$0x3] =	stream.indirect.gather [hbm4b:s3+s7], $0x3E8, s21, s7, $0xb8;
	[tilespmem:$0x1F800] =	vst v63  }
0xb2: {  	_ =	swait.ge [sflag:s14], $0xFA00  }
0xb3: {  	[sflag:s14] =	ssyncset.done $0x0  }
0xb4: {  	s0 =	rddreg [dreg:$0x4];
	[sflag:s14] =	ssyncadd.s32 $0xFFFF0600  }
0xb5: {  	[hbm4b:s0+s2] =	stream.linear.scatter [tilespmem:s12], [sflag:$0x4], $0xFA00, $0x38;
	[tilespmem:$0x1F800] =	vst v63  }
0xb6: {  	_ =	swait.ge [sflag:s9], $0xFA00  }
0xb7: {  	[sflag:s9] =	ssyncset.done $0x0  }
0xb8: {  	[sflag:s9] =	ssyncadd.s32 $0xFFFF0600  }
0xb9: {  	[tilespmem:s12], [sflag:$0x2] =	stream.indirect.gather [hbm4b:s3+s7], $0x3E8, s19, s7, $0xb8;
	[tilespmem:$0x1F800] =	vst v63  }
0xba: {  	_ =	swait.ge [sflag:s13], $0xFA00  }
0xbb: {  	[sflag:s13] =	ssyncset.done $0x0  }
0xbc: {  	s0 =	rddreg [dreg:$0x5];
	[sflag:s13] =	ssyncadd.s32 $0xFFFF0600  }
0xbd: {  	[hbm4b:s0+s2] =	stream.linear.scatter [tilespmem:s10], [sflag:$0x5], $0xFA00, $0x38;
	[tilespmem:$0x1F800] =	vst v63  }
0xbe: {  	_ =	swait.ge [sflag:s8], $0xFA00  }
0xbf: {  	[sflag:s8] =	ssyncset.done $0x0  }
0xc0: {  	[sflag:s8] =	ssyncadd.s32 $0xFFFF0600  }
0xc1: {  	[tilespmem:s10], [sflag:$0x3] =	stream.indirect.gather [hbm4b:s3+s7], $0x3E8, s18, s7, $0xb8;
	[tilespmem:$0x1F800] =	vst v63  }
0xc2: {  	_ =	swait.ge [sflag:s14], $0xFA00  }
0xc3: {  	[sflag:s14] =	ssyncset.done $0x0  }
0xc4: {  	s0 =	rddreg [dreg:$0x6];
	[sflag:s14] =	ssyncadd.s32 $0xFFFF0600  }
0xc5: {  	[hbm4b:s0+s2] =	stream.linear.scatter [tilespmem:s12], [sflag:$0x4], $0xFA00, $0x38;
	[tilespmem:$0x1F800] =	vst v63  }
0xc6: {  	_ =	swait.ge [sflag:s9], $0xFA00  }
0xc7: {  	[sflag:s9] =	ssyncset.done $0x0  }
0xc8: {  	[sflag:s9] =	ssyncadd.s32 $0xFFFF0600  }
0xc9: {  	[tilespmem:s12], [sflag:$0x2] =	stream.indirect.gather [hbm4b:s3+s7], $0x3E8, s17, s7, $0xb8;
	[tilespmem:$0x1F800] =	vst v63  }
0xca: {  	_ =	swait.ge [sflag:s13], $0xFA00  }
0xcb: {  	[sflag:s13] =	ssyncset.done $0x0  }
0xcc: {  	s0 =	rddreg [dreg:$0x7];
	[sflag:s13] =	ssyncadd.s32 $0xFFFF0600  }
0xcd: {  	[hbm4b:s0+s2] =	stream.linear.scatter [tilespmem:s10], [sflag:$0x5], $0xFA00, $0x38;
	[tilespmem:$0x1F800] =	vst v63  }
0xce: {  	_ =	swait.ge [sflag:s8], $0xFA00  }
0xcf: {  	[sflag:s8] =	ssyncset.done $0x0  }
0xd0: {  	[sflag:s8] =	ssyncadd.s32 $0xFFFF0600  }
0xd1: {  	[tilespmem:s10], [sflag:$0x3] =	stream.indirect.gather [hbm4b:s3+s7], $0x3E8, s16, s7, $0xb8;
	[tilespmem:$0x1F800] =	vst v63  }
0xd2: {  	_ =	swait.ge [sflag:s14], $0xFA00  }
0xd3: {  	[sflag:s14] =	ssyncset.done $0x0  }
0xd4: {  	s0 =	rddreg [dreg:$0x8];
	[sflag:s14] =	ssyncadd.s32 $0xFFFF0600  }
0xd5: {  	[hbm4b:s0+s2] =	stream.linear.scatter [tilespmem:s12], [sflag:$0x4], $0xFA00, $0x38;
	[tilespmem:$0x1F800] =	vst v63  }
0xd6: {  	_ =	swait.ge [sflag:s9], $0xFA00  }
0xd7: {  	[sflag:s9] =	ssyncset.done $0x0  }
0xd8: {  	[sflag:s9] =	ssyncadd.s32 $0xFFFF0600  }
0xd9: {  	[tilespmem:s12], [sflag:$0x2] =	stream.indirect.gather [hbm4b:s3+s7], $0x3E8, s15, s7, $0xb8;
	[tilespmem:$0x1F800] =	vst v63  }
0xda: {  	_ =	swait.ge [sflag:s13], $0xFA00  }
0xdb: {  	[sflag:s13] =	ssyncset.done $0x0  }
0xdc: {  	[sflag:s13] =	ssyncadd.s32 $0xFFFF0600  }
0xdd: {  	[hbm4b:s6+s2] =	stream.linear.scatter [tilespmem:s10], [sflag:$0x5], $0xFA00, $0x38;
	[tilespmem:$0x1F800] =	vst v63  }
0xde: {  	_ =	swait.ge [sflag:s8], $0xFA00  }
0xdf: {  	[sflag:s8] =	ssyncset.done $0x0  }
0xe0: {  	[sflag:s8] =	ssyncadd.s32 $0xFFFF0600  }
0xe1: {  	[tilespmem:s10], [sflag:$0x3] =	stream.indirect.gather [hbm4b:s3+s7], $0x3E8, s11, s7, $0xb8;
	[tilespmem:$0x1F800] =	vst v63  }
0xe2: {  	_ =	swait.ge [sflag:s14], $0xFA00  }
0xe3: {  	[sflag:s14] =	ssyncset.done $0x0  }
0xe4: {  	[sflag:s14] =	ssyncadd.s32 $0xFFFF0600  }
0xe5: {  	[hbm4b:s5+s2] =	stream.linear.scatter [tilespmem:s12], [sflag:$0x4], $0xFA00, $0x38;
	[tilespmem:$0x1F800] =	vst v63  }
0xe6: {  	_ =	swait.ge [sflag:s13], $0xFA00  }
0xe7: {  	[sflag:s13] =	ssyncset.done $0x0  }
0xe8: {  	p1 =	sne.s32 s1, $0x1;
	[sflag:s13] =	ssyncadd.s32 $0xFFFF0600  }
0xe9: {  	[hbm4b:s4+s2] =	stream.linear.scatter [tilespmem:s10], [sflag:$0x5], $0xFA00, $0x38;
	[tilespmem:$0x1F800] =	vst v63  }
.Ltmp2:
0xea: {  	_ =	swait.ge [sflag:s9], $0xFA00;
	(pc) =	sbr.rel @p1 .LBB2_2-.Ltmp2, $4  }
0xeb: {  	[sflag:s9] =	ssyncset.done $0x0  }
0xec: {  	[sflag:s9] =	ssyncadd.s32 $0xFFFF0600  }
0xed: {  	_ =	swait.ge [sflag:s8], $0xFA00  }
0xee: {  	s1 =	sadd.s32 $0xFFFFFFFF, s1;
	s0 =	rddreg [dreg:$0x3];
	[sflag:s8] =	ssyncset.done $0x0  }
.LBB2_3:
0xef: {  	[sflag:s8] =	ssyncadd.s32 @p0 $0xFFFF0600  }
0xf0: {  	[tilespmem:s2], [sflag:$0x6] =	stream.linear.gather [hbm4b:s0+s2], $0x200, $0x38;
	[tilespmem:$0x1F800] =	vst v63  }
0xf1: {  	_ =	swait.ge [sflag:s24], $0x200  }
0xf2: {  	[sflag:s24] =	ssyncset.done $0x0  }
0xf3: {  	[sflag:s24] =	ssyncadd.s32 $0xFFFFFE00  }
0xf4: {  	[tilespmem:s20], [sflag:$0x1] =	stream.indirect.gather [hbm4b:s22+s7], $0x1, s2, s7, $0xb8;
	[tilespmem:$0x1F800] =	vst v63  }
0xf5: {  	_ = 	snop  }
0xf6: {  	[tilespmem:s21], [sflag:$0x1] =	stream.indirect.gather [hbm4b:s22+s7], $0x1, s7, s7, $0xb8;
	[tilespmem:$0x1F800] =	vst v63  }
0xf7: {  	_ = 	snop  }
0xf8: {  	[tilespmem:s19], [sflag:$0x1] =	stream.indirect.gather [hbm4b:s22+s7], $0x1, s25, s7, $0xb8;
	[tilespmem:$0x1F800] =	vst v63  }
0xf9: {  	_ = 	snop  }
0xfa: {  	[tilespmem:s18], [sflag:$0x1] =	stream.indirect.gather [hbm4b:s22+s7], $0x1, s26, s7, $0xb8;
	[tilespmem:$0x1F800] =	vst v63  }
0xfb: {  	_ = 	snop  }
0xfc: {  	[tilespmem:s17], [sflag:$0x1] =	stream.indirect.gather [hbm4b:s22+s7], $0x1, s28, s7, $0xb8;
	[tilespmem:$0x1F800] =	vst v63  }
0xfd: {  	_ = 	snop  }
0xfe: {  	[tilespmem:s16], [sflag:$0x1] =	stream.indirect.gather [hbm4b:s22+s7], $0x1, s29, s7, $0xb8;
	[tilespmem:$0x1F800] =	vst v63  }
0xff: {  	_ = 	snop  }
0x100: {  	[tilespmem:s15], [sflag:$0x1] =	stream.indirect.gather [hbm4b:s22+s7], $0x1, s30, s7, $0xb8;
	[tilespmem:$0x1F800] =	vst v63  }
0x101: {  	_ = 	snop  }
0x102: {  	[tilespmem:s11], [sflag:$0x1] =	stream.indirect.gather [hbm4b:s22+s7], $0x1, s31, s7, $0xb8;
	[tilespmem:$0x1F800] =	vst v63  }
0x103: {  	_ =	swait.ge [sflag:s23], $0x40  }
0x104: {  	[sflag:s23] =	ssyncset.done $0x0  }
0x105: {  	[sflag:s23] =	ssyncadd.s32 $0xFFFFFFC0  }
0x106: {  	_ =	swait.ge [sflag:s23], $0x40  }
0x107: {  	[sflag:s23] =	ssyncset.done $0x0  }
0x108: {  	[sflag:s23] =	ssyncadd.s32 $0xFFFFFFC0  }
0x109: {  	_ =	swait.ge [sflag:s23], $0x40  }
0x10a: {  	[sflag:s23] =	ssyncset.done $0x0  }
0x10b: {  	[sflag:s23] =	ssyncadd.s32 $0xFFFFFFC0  }
0x10c: {  	_ =	swait.ge [sflag:s23], $0x40  }
0x10d: {  	[sflag:s23] =	ssyncset.done $0x0  }
0x10e: {  	[sflag:s23] =	ssyncadd.s32 $0xFFFFFFC0  }
0x10f: {  	_ =	swait.ge [sflag:s23], $0x40  }
0x110: {  	[sflag:s23] =	ssyncset.done $0x0  }
0x111: {  	[sflag:s23] =	ssyncadd.s32 $0xFFFFFFC0  }
0x112: {  	_ =	swait.ge [sflag:s23], $0x40  }
0x113: {  	[sflag:s23] =	ssyncset.done $0x0  }
0x114: {  	[sflag:s23] =	ssyncadd.s32 $0xFFFFFFC0  }
0x115: {  	_ =	swait.ge [sflag:s23], $0x40  }
0x116: {  	[sflag:s23] =	ssyncset.done $0x0  }
0x117: {  	[sflag:s23] =	ssyncadd.s32 $0xFFFFFFC0  }
0x118: {  	_ =	swait.ge [sflag:s23], $0x40  }
0x119: {  	[sflag:s23] =	ssyncset.done $0x0  }
0x11a: {  	[sflag:s23] =	ssyncadd.s32 $0xFFFFFFC0  }
0x11b: {  	[tilespmem:s12], [sflag:$0x2] =	stream.indirect.gather [hbm4b:s3+s7], $0x3E8, s20, s7, $0xb8;
	[tilespmem:$0x1F800] =	vst v63  }
0x11c: {  	_ = 	snop  }
0x11d: {  	[tilespmem:s10], [sflag:$0x3] =	stream.indirect.gather [hbm4b:s3+s7], $0x3E8, s21, s7, $0xb8;
	[tilespmem:$0x1F800] =	vst v63  }
0x11e: {  	_ =	swait.ge [sflag:s14], $0xFA00  }
0x11f: {  	[sflag:s14] =	ssyncset.done $0x0  }
0x120: {  	s25 =	rddreg [dreg:$0x4];
	[sflag:s14] =	ssyncadd.s32 $0xFFFF0600  }
0x121: {  	[hbm4b:s25+s2] =	stream.linear.scatter [tilespmem:s12], [sflag:$0x4], $0xFA00, $0x38;
	[tilespmem:$0x1F800] =	vst v63  }
0x122: {  	_ =	swait.ge [sflag:s9], $0xFA00  }
0x123: {  	[sflag:s9] =	ssyncset.done $0x0  }
0x124: {  	[sflag:s9] =	ssyncadd.s32 $0xFFFF0600  }
0x125: {  	[tilespmem:s12], [sflag:$0x2] =	stream.indirect.gather [hbm4b:s3+s7], $0x3E8, s19, s7, $0xb8;
	[tilespmem:$0x1F800] =	vst v63  }
0x126: {  	_ =	swait.ge [sflag:s13], $0xFA00  }
0x127: {  	[sflag:s13] =	ssyncset.done $0x0  }
0x128: {  	s26 =	rddreg [dreg:$0x5];
	[sflag:s13] =	ssyncadd.s32 $0xFFFF0600  }
0x129: {  	[hbm4b:s26+s2] =	stream.linear.scatter [tilespmem:s10], [sflag:$0x5], $0xFA00, $0x38;
	[tilespmem:$0x1F800] =	vst v63  }
0x12a: {  	_ =	swait.ge [sflag:s8], $0xFA00  }
0x12b: {  	[sflag:s8] =	ssyncset.done $0x0  }
0x12c: {  	[sflag:s8] =	ssyncadd.s32 $0xFFFF0600  }
0x12d: {  	[tilespmem:s10], [sflag:$0x3] =	stream.indirect.gather [hbm4b:s3+s7], $0x3E8, s18, s7, $0xb8;
	[tilespmem:$0x1F800] =	vst v63  }
0x12e: {  	_ =	swait.ge [sflag:s14], $0xFA00  }
0x12f: {  	[sflag:s14] =	ssyncset.done $0x0  }
0x130: {  	s28 =	rddreg [dreg:$0x6];
	[sflag:s14] =	ssyncadd.s32 $0xFFFF0600  }
0x131: {  	[hbm4b:s28+s2] =	stream.linear.scatter [tilespmem:s12], [sflag:$0x4], $0xFA00, $0x38;
	[tilespmem:$0x1F800] =	vst v63  }
0x132: {  	_ =	swait.ge [sflag:s9], $0xFA00  }
0x133: {  	[sflag:s9] =	ssyncset.done $0x0  }
0x134: {  	[sflag:s9] =	ssyncadd.s32 $0xFFFF0600  }
0x135: {  	[tilespmem:s12], [sflag:$0x2] =	stream.indirect.gather [hbm4b:s3+s7], $0x3E8, s17, s7, $0xb8;
	[tilespmem:$0x1F800] =	vst v63  }
0x136: {  	_ =	swait.ge [sflag:s13], $0xFA00  }
0x137: {  	[sflag:s13] =	ssyncset.done $0x0  }
0x138: {  	s29 =	rddreg [dreg:$0x7];
	[sflag:s13] =	ssyncadd.s32 $0xFFFF0600  }
0x139: {  	[hbm4b:s29+s2] =	stream.linear.scatter [tilespmem:s10], [sflag:$0x5], $0xFA00, $0x38;
	[tilespmem:$0x1F800] =	vst v63  }
0x13a: {  	_ =	swait.ge [sflag:s8], $0xFA00  }
0x13b: {  	[sflag:s8] =	ssyncset.done $0x0  }
0x13c: {  	[sflag:s8] =	ssyncadd.s32 $0xFFFF0600  }
0x13d: {  	[tilespmem:s10], [sflag:$0x3] =	stream.indirect.gather [hbm4b:s3+s7], $0x3E8, s16, s7, $0xb8;
	[tilespmem:$0x1F800] =	vst v63  }
0x13e: {  	_ =	swait.ge [sflag:s14], $0xFA00  }
0x13f: {  	[sflag:s14] =	ssyncset.done $0x0  }
0x140: {  	s30 =	rddreg [dreg:$0x8];
	[sflag:s14] =	ssyncadd.s32 $0xFFFF0600  }
0x141: {  	[hbm4b:s30+s2] =	stream.linear.scatter [tilespmem:s12], [sflag:$0x4], $0xFA00, $0x38;
	[tilespmem:$0x1F800] =	vst v63  }
0x142: {  	_ =	swait.ge [sflag:s9], $0xFA00  }
0x143: {  	[sflag:s9] =	ssyncset.done $0x0  }
0x144: {  	[sflag:s9] =	ssyncadd.s32 $0xFFFF0600  }
0x145: {  	[tilespmem:s12], [sflag:$0x2] =	stream.indirect.gather [hbm4b:s3+s7], $0x3E8, s15, s7, $0xb8;
	[tilespmem:$0x1F800] =	vst v63  }
0x146: {  	_ =	swait.ge [sflag:s13], $0xFA00  }
0x147: {  	[sflag:s13] =	ssyncset.done $0x0  }
0x148: {  	[sflag:s13] =	ssyncadd.s32 $0xFFFF0600  }
0x149: {  	[hbm4b:s6+s2] =	stream.linear.scatter [tilespmem:s10], [sflag:$0x5], $0xFA00, $0x38;
	[tilespmem:$0x1F800] =	vst v63  }
0x14a: {  	_ =	swait.ge [sflag:s8], $0xFA00  }
0x14b: {  	[sflag:s8] =	ssyncset.done $0x0  }
0x14c: {  	[sflag:s8] =	ssyncadd.s32 $0xFFFF0600  }
0x14d: {  	[tilespmem:s10], [sflag:$0x3] =	stream.indirect.gather [hbm4b:s3+s7], $0x3E8, s11, s7, $0xb8;
	[tilespmem:$0x1F800] =	vst v63  }
0x14e: {  	_ =	swait.ge [sflag:s14], $0xFA00  }
0x14f: {  	[sflag:s14] =	ssyncset.done $0x0  }
0x150: {  	[sflag:s14] =	ssyncadd.s32 $0xFFFF0600  }
0x151: {  	[hbm4b:s5+s2] =	stream.linear.scatter [tilespmem:s12], [sflag:$0x4], $0xFA00, $0x38;
	[tilespmem:$0x1F800] =	vst v63  }
0x152: {  	_ =	swait.ge [sflag:s13], $0xFA00  }
0x153: {  	[sflag:s13] =	ssyncset.done $0x0  }
0x154: {  	[sflag:s13] =	ssyncadd.s32 $0xFFFF0600  }
0x155: {  	[hbm4b:s4+s2] =	stream.linear.scatter [tilespmem:s10], [sflag:$0x5], $0xFA00, $0x38;
	[tilespmem:$0x1F800] =	vst v63  }
0x156: {  	_ =	swait.ge [sflag:s9], $0xFA00  }
0x157: {  	[sflag:s9] =	ssyncset.done $0x0  }
0x158: {  	[sflag:s9] =	ssyncadd.s32 $0xFFFF0600  }
0x159: {  	_ =	swait.ge [sflag:s8], $0xFA00  }
0x15a: {  	[sflag:s8] =	ssyncset.done $0x0  }
0x15b: {  	[sflag:s8] =	ssyncadd.s32 $0xFFFF0600  }
0x15c: {  	_ =	sfence.sel $0x180000  }
0x15d: {  	[bflag:$0x0] =	sbarrier.arrive $0xFFFF  }
0x15e: {  	_ =	strace $0x9000004A  }
0x15f: {  	s31 =	stileid.u32;
	[bflag:$0x2] =	sbarrier.arrive $0xFFFF  }
0x160: {  	p0 =	sne.s32 s31, $0x0;
	s0 =	rddreg [dreg:$0x2]  }
0x161: {  	s0 =	sadd.s32 @!p0 $0x100000, s0  }
0x162: {  	[sflag:s0] =	ssyncadd.tile.s32 @!p0 $0x1;
	_ =	shalt  }
.Lfunc_end2:
_tile_overlayer_lowered:
.L_overlay_start_2:
0x163: {  	(tag) =	ssettag $0x2  }
0x164: {  	s0 =	rddreg [dreg:$0x0];
	s2 =	stileid.u32  }
0x165: {  	s1 =	rddreg [dreg:$0x1];
	p0 =	sne.s32 s2, $0x0  }
0x166: {  	s3 =	rddreg [dreg:$0x2];
	[bflag:$0x3] =	sbarrier.arrive $0xFFFF;
	s2 =	simm.s32 @!p0 $0x1C06  }
0x167: {  	[timem:s3], [sflag:s2] =	dma.local @!p0 [hbm:s0], s1  }
0x168: {  	s0 =	simm.s32 @!p0 $0x6  }
0x169: {  	_ =	swait.ge @!p0 [sflag:s0], s1  }
0x16a: {  	s1 =	ssub.s32 @!p0 $0x0, s1;
	[sflag:s0] =	ssyncset.done @!p0 $0x0  }
0x16b: {  	[sflag:s0] =	ssyncadd.s32 @!p0 s1  }
0x16c: {  	[bflag:$0x3] =	sbarrier.arrive $0xFFFF  }
0x16d: {  	_ =	shalt  }

</sc_bundles>
